<compile_context>
chip_gen: v7x
topology: tpu7x:2x2x1
jax: 0.10.2.dev20260603
libtpu: 0.0.44.dev20260713+nightly
codegen_flags: <defaults>
</compile_context>

<pallas_src>
import jax
import jax.numpy as jnp
from jax.experimental import pallas as pl

_PRE_NMS = 6000
_POST_NMS = 1500
_IOU_THR = 0.7
_VARIANCES = (0.1, 0.1, 0.2, 0.2)
_ROWS = 8
_COLS = 768
_PAD = _ROWS * _COLS


def _nms_kernel(anch_ref, delt_ref, box_ref, keep_ref):
    y1a = anch_ref[0, 0]
    x1a = anch_ref[0, 1]
    y2a = anch_ref[0, 2]
    x2a = anch_ref[0, 3]
    d0 = delt_ref[0, 0]
    d1 = delt_ref[0, 1]
    d2 = delt_ref[0, 2]
    d3 = delt_ref[0, 3]

    aw = x2a - x1a
    ah = y2a - y1a
    acx = x1a + 0.5 * aw
    acy = y1a + 0.5 * ah
    bw = jnp.exp(d3) * aw
    bh = jnp.exp(d2) * ah
    bcx = d1 * aw + acx
    bcy = d0 * ah + acy
    y1 = bcy - 0.5 * bh
    x1 = bcx - 0.5 * bw
    y2 = y1 + bh
    x2 = x1 + bw

    box_ref[0, 0] = y1
    box_ref[0, 1] = x1
    box_ref[0, 2] = y2
    box_ref[0, 3] = x2

    area = jnp.maximum(y2 - y1, 0.0) * jnp.maximum(x2 - x1, 0.0)

    row = jax.lax.broadcasted_iota(jnp.int32, (_ROWS, _COLS), 0)
    col = jax.lax.broadcasted_iota(jnp.int32, (_ROWS, _COLS), 1)
    lin = row * _COLS + col

    neg = jnp.float32(-3.0e38)

    def body(i, keep):
        m = lin == i
        alive = jnp.max(jnp.where(m, keep, 0.0)) > 0.5
        y1i = jnp.max(jnp.where(m, y1, neg))
        x1i = jnp.max(jnp.where(m, x1, neg))
        y2i = jnp.max(jnp.where(m, y2, neg))
        x2i = jnp.max(jnp.where(m, x2, neg))
        ai = jnp.max(jnp.where(m, area, neg))

        inter = (jnp.maximum(jnp.minimum(y2i, y2) - jnp.maximum(y1i, y1), 0.0)
                 * jnp.maximum(jnp.minimum(x2i, x2) - jnp.maximum(x1i, x1), 0.0))
        union = ai + area - inter
        iou = inter / jnp.maximum(union, 1e-8)
        suppress = (iou > _IOU_THR) & (lin > i) & alive
        return jnp.where(suppress, 0.0, keep)

    keep = jax.lax.fori_loop(
        0, _PRE_NMS, body, jnp.ones((_ROWS, _COLS), jnp.float32))
    keep_ref[0] = keep


def kernel(rpn_bbox_deltas, rpn_probs, gt_labels, anchors):
    del gt_labels
    B = rpn_bbox_deltas.shape[0]
    A = anchors.shape[0]
    variances = jnp.asarray(_VARIANCES, dtype=jnp.float32)

    deltas = rpn_bbox_deltas.reshape(B, A, 4) * variances
    probs = rpn_probs.reshape(B, A)

    pre_scores, pre_idx = jax.lax.top_k(probs, _PRE_NMS)
    anch_sel = anchors[pre_idx].transpose(0, 2, 1)
    delt_sel = jnp.take_along_axis(
        deltas, pre_idx[:, :, None], axis=1).transpose(0, 2, 1)

    pad = ((0, 0), (0, 0), (0, _PAD - _PRE_NMS))
    anch_t = jnp.pad(anch_sel, pad).reshape(B, 4, _ROWS, _COLS)
    delt_t = jnp.pad(delt_sel, pad).reshape(B, 4, _ROWS, _COLS)

    box_t, keep_t = pl.pallas_call(
        _nms_kernel,
        grid=(B,),
        in_specs=[
            pl.BlockSpec((1, 4, _ROWS, _COLS), lambda b: (b, 0, 0, 0)),
            pl.BlockSpec((1, 4, _ROWS, _COLS), lambda b: (b, 0, 0, 0)),
        ],
        out_specs=[
            pl.BlockSpec((1, 4, _ROWS, _COLS), lambda b: (b, 0, 0, 0)),
            pl.BlockSpec((1, _ROWS, _COLS), lambda b: (b, 0, 0)),
        ],
        out_shape=[
            jax.ShapeDtypeStruct((B, 4, _ROWS, _COLS), jnp.float32),
            jax.ShapeDtypeStruct((B, _ROWS, _COLS), jnp.float32),
        ],
    )(anch_t, delt_t)

    boxes = box_t.reshape(B, 4, _PAD)[:, :, :_PRE_NMS].transpose(0, 2, 1)
    keep = keep_t.reshape(B, _PAD)[:, :_PRE_NMS] > 0.5

    masked = jnp.where(keep, pre_scores, -jnp.inf)
    sel_scores, sel_idx = jax.lax.top_k(masked, _POST_NMS)
    valid = jnp.isfinite(sel_scores)
    sel_boxes = jnp.clip(
        jnp.take_along_axis(boxes, sel_idx[:, :, None], axis=1), 0.0, 1.0)
    roi_bboxes = jnp.where(valid[:, :, None], sel_boxes, 0.0)
    roi_scores = jnp.where(valid, sel_scores, 0.0)
    return roi_bboxes, roi_scores

# --- scband reference (transcript-rebuilt; emitter-appended) ---
"""Pipeline reference for scband-ro-ibbox-40157944217900 (READ-ONLY COPY).

The authoritative reference and input builder live on the scoring server;
editing this copy changes nothing except your own understanding.
"""

import jax, jax.numpy as jnp
import numpy as np

HP = {'img_size': 500, 'feature_map_shape': 31, 'anchor_ratios': [1.0, 2.0, 0.5], 'anchor_scales': [128, 256, 512], 'pre_nms_topn': 6000, 'train_nms_topn': 1500, 'test_nms_topn': 300, 'nms_iou_threshold': 0.7, 'variances': [0.1, 0.1, 0.2, 0.2]}


def generate_anchors(hp):
    img_size = hp['img_size']
    fms = hp['feature_map_shape']
    base = []
    for scale in hp['anchor_scales']:
        s = float(scale) / img_size
        for ratio in hp['anchor_ratios']:
            w = s * np.sqrt(ratio)
            h = s / np.sqrt(ratio)
            base.append([-h / 2.0, -w / 2.0, h / 2.0, w / 2.0])
    base = np.array(base, dtype=np.float32)
    stride = 1.0 / fms
    coords = (np.arange(fms, dtype=np.float32) / fms) + stride / 2.0
    gx, gy = np.meshgrid(coords, coords)
    grid = np.stack([gy.reshape(-1), gx.reshape(-1), gy.reshape(-1), gx.reshape(-1)], axis=-1).astype(np.float32)
    anchors = (grid.reshape(-1, 1, 4) + base.reshape(1, -1, 4)).reshape(-1, 4)
    return np.clip(anchors, 0.0, 1.0).astype(np.float32)


def setup_inputs(seed: int = 0):
    key = jax.random.key(seed)
    k1, k2, k3 = jax.random.split(key, 3)
    rpn_bbox_deltas = jax.random.normal(k1, (2, 31, 31, 36), dtype=jnp.float32)
    rpn_probs = jax.random.uniform(k2, (2, 31, 31, 9), dtype=jnp.float32)
    gt_labels = jax.random.randint(k3, (2, 20), 0, 21)
    anchors = jnp.asarray(generate_anchors(HP))
    return {'rpn_bbox_deltas': rpn_bbox_deltas, 'rpn_probs': rpn_probs, 'gt_labels': gt_labels, 'anchors': anchors}


def delta_to_bbox(anchors, deltas):
    aw = anchors[..., 3] - anchors[..., 1]
    ah = anchors[..., 2] - anchors[..., 0]
    acx = anchors[..., 1] + 0.5 * aw
    acy = anchors[..., 0] + 0.5 * ah
    bw = jnp.exp(deltas[..., 3]) * aw
    bh = jnp.exp(deltas[..., 2]) * ah
    bcx = deltas[..., 1] * aw + acx
    bcy = deltas[..., 0] * ah + acy
    y1 = bcy - 0.5 * bh
    x1 = bcx - 0.5 * bw
    return jnp.stack([y1, x1, y1 + bh, x1 + bw], axis=-1)


def nms_single(boxes, scores, iou_threshold, max_out):
    n = boxes.shape[0]
    b = jax.lax.stop_gradient(boxes)
    y1, x1, y2, x2 = b[:, 0], b[:, 1], b[:, 2], b[:, 3]
    areas = jnp.maximum(y2 - y1, 0.0) * jnp.maximum(x2 - x1, 0.0)
    idxs = jnp.arange(n)

    def body(keep, i):
        yy1 = jnp.maximum(y1[i], y1)
        xx1 = jnp.maximum(x1[i], x1)
        yy2 = jnp.minimum(y2[i], y2)
        xx2 = jnp.minimum(x2[i], x2)
        inter = jnp.maximum(yy2 - yy1, 0.0) * jnp.maximum(xx2 - xx1, 0.0)
        union = areas[i] + areas - inter
        iou = inter / jnp.maximum(union, 1e-8)
        suppress = (iou > iou_threshold) & (idxs > i) & keep[i]
        return keep & (~suppress), None

    keep, _ = jax.lax.scan(body, jnp.ones((n,), dtype=bool), idxs)
    masked = jnp.where(keep, scores, -jnp.inf)
    sel_scores, sel_idx = jax.lax.top_k(masked, max_out)
    valid = jnp.isfinite(sel_scores)
    sel_boxes = jnp.clip(boxes[sel_idx], 0.0, 1.0)
    sel_boxes = jnp.where(valid[:, None], sel_boxes, 0.0)
    sel_scores = jnp.where(valid, sel_scores, 0.0)
    return sel_boxes, sel_scores


def reference(rpn_bbox_deltas, rpn_probs, gt_labels, anchors):
    hp = HP
    pre_nms_topn = hp['pre_nms_topn']
    post_nms_topn = hp['train_nms_topn']
    nms_iou_threshold = hp['nms_iou_threshold']
    variances = jnp.asarray(hp['variances'], dtype=jnp.float32)
    total_anchors = anchors.shape[0]
    B = rpn_bbox_deltas.shape[0]
    deltas = rpn_bbox_deltas.reshape(B, total_anchors, 4) * variances
    probs = rpn_probs.reshape(B, total_anchors)
    rpn_bboxes = delta_to_bbox(anchors, deltas)
    pre_scores, pre_idx = jax.lax.top_k(probs, pre_nms_topn)
    pre_boxes = jnp.take_along_axis(rpn_bboxes, pre_idx[:, :, None], axis=1)
    roi_bboxes, roi_scores = jax.vmap(lambda b, s: nms_single(b, s, nms_iou_threshold, post_nms_topn))(pre_boxes, pre_scores)
    return roi_bboxes, roi_scores

if __name__ == "__main__":
    import jax
    _d = setup_inputs()
    print(jax.jit(kernel)(*tuple(_d.values())))

</pallas_src>

<mosaic_0001>
module attributes {stable_mosaic.version = 14 : i64} {
  func.func @_nms_kernel(%arg0: i32, %arg1: memref<1x4x8x768xf32, #tpu.memory_space<vmem>>, %arg2: memref<1x4x8x768xf32, #tpu.memory_space<vmem>>, %arg3: memref<1x4x8x768xf32, #tpu.memory_space<vmem>>, %arg4: memref<1x8x768xf32, #tpu.memory_space<vmem>>) attributes {dimension_semantics = [#tpu.dimension_semantics<arbitrary>], iteration_bounds = array<i64: 2>, scalar_prefetch = 0 : i64, scratch_operands = 0 : i64, tpu.core_type = #tpu.core_type<tc>, window_params = [{transform_indices = @transform_0, window_bounds = array<i64: 1, 4, 8, 768>}, {transform_indices = @transform_1, window_bounds = array<i64: 1, 4, 8, 768>}, {transform_indices = @transform_2, window_bounds = array<i64: 1, 4, 8, 768>}, {transform_indices = @transform_3, window_bounds = array<i64: 1, 8, 768>}]} {
    %get3A = arith.constant 0 : index
    %get3A_0 = arith.constant 0 : index
    %get3A_1 = arith.constant 0 : index
    %get3A_2 = arith.constant 0 : index
    %get3A_3 = vector.load %arg1[%get3A, %get3A_0, %get3A_1, %get3A_2] : memref<1x4x8x768xf32, #tpu.memory_space<vmem>>, vector<1x1x8x768xf32>
    %get3A_4 = vector.shape_cast %get3A_3 : vector<1x1x8x768xf32> to vector<8x768xf32>
    %get3A_5 = arith.constant 0 : index
    %get3A_6 = arith.constant 1 : index
    %get3A_7 = arith.constant 0 : index
    %get3A_8 = arith.constant 0 : index
    %get3A_9 = vector.load %arg1[%get3A_5, %get3A_6, %get3A_7, %get3A_8] : memref<1x4x8x768xf32, #tpu.memory_space<vmem>>, vector<1x1x8x768xf32>
    %get3A_10 = vector.shape_cast %get3A_9 : vector<1x1x8x768xf32> to vector<8x768xf32>
    %get3A_11 = arith.constant 0 : index
    %get3A_12 = arith.constant 2 : index
    %get3A_13 = arith.constant 0 : index
    %get3A_14 = arith.constant 0 : index
    %get3A_15 = vector.load %arg1[%get3A_11, %get3A_12, %get3A_13, %get3A_14] : memref<1x4x8x768xf32, #tpu.memory_space<vmem>>, vector<1x1x8x768xf32>
    %get3A_16 = vector.shape_cast %get3A_15 : vector<1x1x8x768xf32> to vector<8x768xf32>
    %get3A_17 = arith.constant 0 : index
    %get3A_18 = arith.constant 3 : index
    %get3A_19 = arith.constant 0 : index
    %get3A_20 = arith.constant 0 : index
    %get3A_21 = vector.load %arg1[%get3A_17, %get3A_18, %get3A_19, %get3A_20] : memref<1x4x8x768xf32, #tpu.memory_space<vmem>>, vector<1x1x8x768xf32>
    %get3A_22 = vector.shape_cast %get3A_21 : vector<1x1x8x768xf32> to vector<8x768xf32>
    %get3A_23 = arith.constant 0 : index
    %get3A_24 = arith.constant 0 : index
    %get3A_25 = arith.constant 0 : index
    %get3A_26 = arith.constant 0 : index
    %get3A_27 = vector.load %arg2[%get3A_23, %get3A_24, %get3A_25, %get3A_26] : memref<1x4x8x768xf32, #tpu.memory_space<vmem>>, vector<1x1x8x768xf32>
    %get3A_28 = vector.shape_cast %get3A_27 : vector<1x1x8x768xf32> to vector<8x768xf32>
    %get3A_29 = arith.constant 0 : index
    %get3A_30 = arith.constant 1 : index
    %get3A_31 = arith.constant 0 : index
    %get3A_32 = arith.constant 0 : index
    %get3A_33 = vector.load %arg2[%get3A_29, %get3A_30, %get3A_31, %get3A_32] : memref<1x4x8x768xf32, #tpu.memory_space<vmem>>, vector<1x1x8x768xf32>
    %get3A_34 = vector.shape_cast %get3A_33 : vector<1x1x8x768xf32> to vector<8x768xf32>
    %get3A_35 = arith.constant 0 : index
    %get3A_36 = arith.constant 2 : index
    %get3A_37 = arith.constant 0 : index
    %get3A_38 = arith.constant 0 : index
    %get3A_39 = vector.load %arg2[%get3A_35, %get3A_36, %get3A_37, %get3A_38] : memref<1x4x8x768xf32, #tpu.memory_space<vmem>>, vector<1x1x8x768xf32>
    %get3A_40 = vector.shape_cast %get3A_39 : vector<1x1x8x768xf32> to vector<8x768xf32>
    %get3A_41 = arith.constant 0 : index
    %get3A_42 = arith.constant 3 : index
    %get3A_43 = arith.constant 0 : index
    %get3A_44 = arith.constant 0 : index
    %get3A_45 = vector.load %arg2[%get3A_41, %get3A_42, %get3A_43, %get3A_44] : memref<1x4x8x768xf32, #tpu.memory_space<vmem>>, vector<1x1x8x768xf32>
    %get3A_46 = vector.shape_cast %get3A_45 : vector<1x1x8x768xf32> to vector<8x768xf32>
    %sub3A = arith.subf %get3A_22, %get3A_10 : vector<8x768xf32>
    %sub3A_47 = arith.subf %get3A_16, %get3A_4 : vector<8x768xf32>
    %mul3A = arith.constant 5.000000e-01 : f32
    %mul3A_48 = vector.broadcast %mul3A : f32 to vector<8x768xf32>
    %mul3A_49 = arith.mulf %mul3A_48, %sub3A : vector<8x768xf32>
    %add3A = arith.addf %get3A_10, %mul3A_49 : vector<8x768xf32>
    %mul3A_50 = arith.constant 5.000000e-01 : f32
    %mul3A_51 = vector.broadcast %mul3A_50 : f32 to vector<8x768xf32>
    %mul3A_52 = arith.mulf %mul3A_51, %sub3A_47 : vector<8x768xf32>
    %add3A_53 = arith.addf %get3A_4, %mul3A_52 : vector<8x768xf32>
    %exp3A = math.exp %get3A_46 : vector<8x768xf32>
    %mul3A_54 = arith.mulf %exp3A, %sub3A : vector<8x768xf32>
    %exp3A_55 = math.exp %get3A_40 : vector<8x768xf32>
    %mul3A_56 = arith.mulf %exp3A_55, %sub3A_47 : vector<8x768xf32>
    %mul3A_57 = arith.mulf %get3A_34, %sub3A : vector<8x768xf32>
    %add3A_58 = arith.addf %mul3A_57, %add3A : vector<8x768xf32>
    %mul3A_59 = arith.mulf %get3A_28, %sub3A_47 : vector<8x768xf32>
    %add3A_60 = arith.addf %mul3A_59, %add3A_53 : vector<8x768xf32>
    %mul3A_61 = arith.constant 5.000000e-01 : f32
    %mul3A_62 = vector.broadcast %mul3A_61 : f32 to vector<8x768xf32>
    %mul3A_63 = arith.mulf %mul3A_62, %mul3A_56 : vector<8x768xf32>
    %sub3A_64 = arith.subf %add3A_60, %mul3A_63 : vector<8x768xf32>
    %mul3A_65 = arith.constant 5.000000e-01 : f32
    %mul3A_66 = vector.broadcast %mul3A_65 : f32 to vector<8x768xf32>
    %mul3A_67 = arith.mulf %mul3A_66, %mul3A_54 : vector<8x768xf32>
    %sub3A_68 = arith.subf %add3A_58, %mul3A_67 : vector<8x768xf32>
    %add3A_69 = arith.addf %sub3A_64, %mul3A_56 : vector<8x768xf32>
    %add3A_70 = arith.addf %sub3A_68, %mul3A_54 : vector<8x768xf32>
    %swap3A = arith.constant 0 : index
    %swap3A_71 = arith.constant 0 : index
    %swap3A_72 = arith.constant 0 : index
    %swap3A_73 = arith.constant 0 : index
    %swap3A_74 = vector.load %arg3[%swap3A, %swap3A_71, %swap3A_72, %swap3A_73] : memref<1x4x8x768xf32, #tpu.memory_space<vmem>>, vector<1x1x8x768xf32>
    %swap3A_75 = vector.shape_cast %swap3A_74 : vector<1x1x8x768xf32> to vector<8x768xf32>
    %swap3A_76 = vector.shape_cast %sub3A_64 : vector<8x768xf32> to vector<1x1x8x768xf32>
    tpu.vector_store %arg3[%swap3A, %swap3A_71, %swap3A_72, %swap3A_73], %swap3A_76 {strides = array<i32>} : memref<1x4x8x768xf32, #tpu.memory_space<vmem>>, vector<1x1x8x768xf32>,
    %swap3A_77 = arith.constant 0 : index
    %swap3A_78 = arith.constant 1 : index
    %swap3A_79 = arith.constant 0 : index
    %swap3A_80 = arith.constant 0 : index
    %swap3A_81 = vector.load %arg3[%swap3A_77, %swap3A_78, %swap3A_79, %swap3A_80] : memref<1x4x8x768xf32, #tpu.memory_space<vmem>>, vector<1x1x8x768xf32>
    %swap3A_82 = vector.shape_cast %swap3A_81 : vector<1x1x8x768xf32> to vector<8x768xf32>
    %swap3A_83 = vector.shape_cast %sub3A_68 : vector<8x768xf32> to vector<1x1x8x768xf32>
    tpu.vector_store %arg3[%swap3A_77, %swap3A_78, %swap3A_79, %swap3A_80], %swap3A_83 {strides = array<i32>} : memref<1x4x8x768xf32, #tpu.memory_space<vmem>>, vector<1x1x8x768xf32>,
    %swap3A_84 = arith.constant 0 : index
    %swap3A_85 = arith.constant 2 : index
    %swap3A_86 = arith.constant 0 : index
    %swap3A_87 = arith.constant 0 : index
    %swap3A_88 = vector.load %arg3[%swap3A_84, %swap3A_85, %swap3A_86, %swap3A_87] : memref<1x4x8x768xf32, #tpu.memory_space<vmem>>, vector<1x1x8x768xf32>
    %swap3A_89 = vector.shape_cast %swap3A_88 : vector<1x1x8x768xf32> to vector<8x768xf32>
    %swap3A_90 = vector.shape_cast %add3A_69 : vector<8x768xf32> to vector<1x1x8x768xf32>
    tpu.vector_store %arg3[%swap3A_84, %swap3A_85, %swap3A_86, %swap3A_87], %swap3A_90 {strides = array<i32>} : memref<1x4x8x768xf32, #tpu.memory_space<vmem>>, vector<1x1x8x768xf32>,
    %swap3A_91 = arith.constant 0 : index
    %swap3A_92 = arith.constant 3 : index
    %swap3A_93 = arith.constant 0 : index
    %swap3A_94 = arith.constant 0 : index
    %swap3A_95 = vector.load %arg3[%swap3A_91, %swap3A_92, %swap3A_93, %swap3A_94] : memref<1x4x8x768xf32, #tpu.memory_space<vmem>>, vector<1x1x8x768xf32>
    %swap3A_96 = vector.shape_cast %swap3A_95 : vector<1x1x8x768xf32> to vector<8x768xf32>
    %swap3A_97 = vector.shape_cast %add3A_70 : vector<8x768xf32> to vector<1x1x8x768xf32>
    tpu.vector_store %arg3[%swap3A_91, %swap3A_92, %swap3A_93, %swap3A_94], %swap3A_97 {strides = array<i32>} : memref<1x4x8x768xf32, #tpu.memory_space<vmem>>, vector<1x1x8x768xf32>,
    %sub3A_98 = arith.subf %add3A_69, %sub3A_64 : vector<8x768xf32>
    %max3A = arith.constant 0.000000e+00 : f32
    %max3A_99 = vector.broadcast %max3A : f32 to vector<8x768xf32>
    %max3A_100 = arith.maximumf %sub3A_98, %max3A_99 : vector<8x768xf32>
    %sub3A_101 = arith.subf %add3A_70, %sub3A_68 : vector<8x768xf32>
    %max3A_102 = arith.constant 0.000000e+00 : f32
    %max3A_103 = vector.broadcast %max3A_102 : f32 to vector<8x768xf32>
    %max3A_104 = arith.maximumf %sub3A_101, %max3A_103 : vector<8x768xf32>
    %mul3A_105 = arith.mulf %max3A_100, %max3A_104 : vector<8x768xf32>
    %iota3A = tpu.iota {dimensions = array<i32: 0>} : vector<8x768xi32>
    %iota3A_106 = tpu.iota {dimensions = array<i32: 1>} : vector<8x768xi32>
    %mul3A_107 = arith.constant 768 : i32
    %mul3A_108 = vector.broadcast %mul3A_107 : i32 to vector<8x768xi32>
    %mul3A_109 = arith.muli %iota3A, %mul3A_108 : vector<8x768xi32>
    %add3A_110 = arith.addi %mul3A_109, %iota3A_106 : vector<8x768xi32>
    %broadcast_in_dim3A = arith.constant 1.000000e+00 : f32
    %broadcast_in_dim3A_111 = vector.broadcast %broadcast_in_dim3A : f32 to vector<8x768xf32>
    %scan3A = arith.constant -3.000000e+38 : f32
    %scan3A_112 = arith.constant 0 : i32
    %scan3A_113 = arith.constant 6000 : i32
    %scan3A_114 = arith.addi %scan3A_112, %scan3A_113 : i32
    %scan3A_115 = arith.constant 1 : i32
    %scan3A_116 = scf.for %scan3A_124 = %scan3A_112 to %scan3A_114 step %scan3A_115 iter_args(%scan3A_125 = %broadcast_in_dim3A_111) -> (vector<8x768xf32>)  : i32 {
      %eq3A = vector.broadcast %scan3A_124 : i32 to vector<8x768xi32>
      %eq3A_126 = arith.cmpi eq, %add3A_110, %eq3A : vector<8x768xi32>
      %jit3A = arith.constant 0.000000e+00 : f32
      %broadcast_in_dim3A_127 = vector.broadcast %jit3A : f32 to vector<8x768xf32>
      %select_n3A = arith.select %eq3A_126, %scan3A_125, %broadcast_in_dim3A_127 : vector<8x768xi1>, vector<8x768xf32>
      %reduce_max3A = vector.shape_cast %select_n3A : vector<8x768xf32> to vector<1x8x768xf32>
      %reduce_max3A_128 = arith.constant dense<0xFF800000> : vector<1xf32>
      %reduce_max3A_129 = vector.multi_reduction <maximumf>, %reduce_max3A, %reduce_max3A_128 [1, 2] : vector<1x8x768xf32> to vector<1xf32>
      %reduce_max3A_130 = vector.shape_cast %reduce_max3A_129 : vector<1xf32> to vector<1x1x1xf32>
      %reduce_max3A_131 = vector.extract %reduce_max3A_130[0, 0, 0] : f32 from vector<1x1x1xf32>
      %gt3A = arith.constant 5.000000e-01 : f32
      %gt3A_132 = arith.cmpf ogt, %reduce_max3A_131, %gt3A : f32
      %broadcast_in_dim3A_133 = vector.broadcast %scan3A : f32 to vector<8x768xf32>
      %select_n3A_134 = arith.select %eq3A_126, %sub3A_64, %broadcast_in_dim3A_133 : vector<8x768xi1>, vector<8x768xf32>
      %reduce_max3A_135 = vector.shape_cast %select_n3A_134 : vector<8x768xf32> to vector<1x8x768xf32>
      %reduce_max3A_136 = arith.constant dense<0xFF800000> : vector<1xf32>
      %reduce_max3A_137 = vector.multi_reduction <maximumf>, %reduce_max3A_135, %reduce_max3A_136 [1, 2] : vector<1x8x768xf32> to vector<1xf32>
      %reduce_max3A_138 = vector.shape_cast %reduce_max3A_137 : vector<1xf32> to vector<1x1x1xf32>
      %reduce_max3A_139 = vector.extract %reduce_max3A_138[0, 0, 0] : f32 from vector<1x1x1xf32>
      %broadcast_in_dim3A_140 = vector.broadcast %scan3A : f32 to vector<8x768xf32>
      %select_n3A_141 = arith.select %eq3A_126, %sub3A_68, %broadcast_in_dim3A_140 : vector<8x768xi1>, vector<8x768xf32>
      %reduce_max3A_142 = vector.shape_cast %select_n3A_141 : vector<8x768xf32> to vector<1x8x768xf32>
      %reduce_max3A_143 = arith.constant dense<0xFF800000> : vector<1xf32>
      %reduce_max3A_144 = vector.multi_reduction <maximumf>, %reduce_max3A_142, %reduce_max3A_143 [1, 2] : vector<1x8x768xf32> to vector<1xf32>
      %reduce_max3A_145 = vector.shape_cast %reduce_max3A_144 : vector<1xf32> to vector<1x1x1xf32>
      %reduce_max3A_146 = vector.extract %reduce_max3A_145[0, 0, 0] : f32 from vector<1x1x1xf32>
      %broadcast_in_dim3A_147 = vector.broadcast %scan3A : f32 to vector<8x768xf32>
      %select_n3A_148 = arith.select %eq3A_126, %add3A_69, %broadcast_in_dim3A_147 : vector<8x768xi1>, vector<8x768xf32>
      %reduce_max3A_149 = vector.shape_cast %select_n3A_148 : vector<8x768xf32> to vector<1x8x768xf32>
      %reduce_max3A_150 = arith.constant dense<0xFF800000> : vector<1xf32>
      %reduce_max3A_151 = vector.multi_reduction <maximumf>, %reduce_max3A_149, %reduce_max3A_150 [1, 2] : vector<1x8x768xf32> to vector<1xf32>
      %reduce_max3A_152 = vector.shape_cast %reduce_max3A_151 : vector<1xf32> to vector<1x1x1xf32>
      %reduce_max3A_153 = vector.extract %reduce_max3A_152[0, 0, 0] : f32 from vector<1x1x1xf32>
      %broadcast_in_dim3A_154 = vector.broadcast %scan3A : f32 to vector<8x768xf32>
      %select_n3A_155 = arith.select %eq3A_126, %add3A_70, %broadcast_in_dim3A_154 : vector<8x768xi1>, vector<8x768xf32>
      %reduce_max3A_156 = vector.shape_cast %select_n3A_155 : vector<8x768xf32> to vector<1x8x768xf32>
      %reduce_max3A_157 = arith.constant dense<0xFF800000> : vector<1xf32>
      %reduce_max3A_158 = vector.multi_reduction <maximumf>, %reduce_max3A_156, %reduce_max3A_157 [1, 2] : vector<1x8x768xf32> to vector<1xf32>
      %reduce_max3A_159 = vector.shape_cast %reduce_max3A_158 : vector<1xf32> to vector<1x1x1xf32>
      %reduce_max3A_160 = vector.extract %reduce_max3A_159[0, 0, 0] : f32 from vector<1x1x1xf32>
      %broadcast_in_dim3A_161 = vector.broadcast %scan3A : f32 to vector<8x768xf32>
      %select_n3A_162 = arith.select %eq3A_126, %mul3A_105, %broadcast_in_dim3A_161 : vector<8x768xi1>, vector<8x768xf32>
      %reduce_max3A_163 = vector.shape_cast %select_n3A_162 : vector<8x768xf32> to vector<1x8x768xf32>
      %reduce_max3A_164 = arith.constant dense<0xFF800000> : vector<1xf32>
      %reduce_max3A_165 = vector.multi_reduction <maximumf>, %reduce_max3A_163, %reduce_max3A_164 [1, 2] : vector<1x8x768xf32> to vector<1xf32>
      %reduce_max3A_166 = vector.shape_cast %reduce_max3A_165 : vector<1xf32> to vector<1x1x1xf32>
      %reduce_max3A_167 = vector.extract %reduce_max3A_166[0, 0, 0] : f32 from vector<1x1x1xf32>
      %min3A = vector.broadcast %reduce_max3A_153 : f32 to vector<8x768xf32>
      %min3A_168 = arith.minimumf %min3A, %add3A_69 : vector<8x768xf32>
      %max3A_169 = vector.broadcast %reduce_max3A_139 : f32 to vector<8x768xf32>
      %max3A_170 = arith.maximumf %max3A_169, %sub3A_64 : vector<8x768xf32>
      %sub3A_171 = arith.subf %min3A_168, %max3A_170 : vector<8x768xf32>
      %max3A_172 = arith.constant 0.000000e+00 : f32
      %max3A_173 = vector.broadcast %max3A_172 : f32 to vector<8x768xf32>
      %max3A_174 = arith.maximumf %sub3A_171, %max3A_173 : vector<8x768xf32>
      %min3A_175 = vector.broadcast %reduce_max3A_160 : f32 to vector<8x768xf32>
      %min3A_176 = arith.minimumf %min3A_175, %add3A_70 : vector<8x768xf32>
      %max3A_177 = vector.broadcast %reduce_max3A_146 : f32 to vector<8x768xf32>
      %max3A_178 = arith.maximumf %max3A_177, %sub3A_68 : vector<8x768xf32>
      %sub3A_179 = arith.subf %min3A_176, %max3A_178 : vector<8x768xf32>
      %max3A_180 = arith.constant 0.000000e+00 : f32
      %max3A_181 = vector.broadcast %max3A_180 : f32 to vector<8x768xf32>
      %max3A_182 = arith.maximumf %sub3A_179, %max3A_181 : vector<8x768xf32>
      %mul3A_183 = arith.mulf %max3A_174, %max3A_182 : vector<8x768xf32>
      %add3A_184 = vector.broadcast %reduce_max3A_167 : f32 to vector<8x768xf32>
      %add3A_185 = arith.addf %add3A_184, %mul3A_105 : vector<8x768xf32>
      %sub3A_186 = arith.subf %add3A_185, %mul3A_183 : vector<8x768xf32>
      %max3A_187 = arith.constant 9.99999993E-9 : f32
      %max3A_188 = vector.broadcast %max3A_187 : f32 to vector<8x768xf32>
      %max3A_189 = arith.maximumf %sub3A_186, %max3A_188 : vector<8x768xf32>
      %div3A = arith.divf %mul3A_183, %max3A_189 : vector<8x768xf32>
      %gt3A_190 = arith.constant 0.699999988 : f32
      %gt3A_191 = vector.broadcast %gt3A_190 : f32 to vector<8x768xf32>
      %gt3A_192 = arith.cmpf ogt, %div3A, %gt3A_191 : vector<8x768xf32>
      %gt3A_193 = vector.broadcast %scan3A_124 : i32 to vector<8x768xi32>
      %gt3A_194 = arith.cmpi sgt, %add3A_110, %gt3A_193 : vector<8x768xi32>
      %and3A = arith.andi %gt3A_192, %gt3A_194 : vector<8x768xi1>
      %and3A_195 = vector.broadcast %gt3A_132 : i1 to vector<8x768xi1>
      %and3A_196 = arith.andi %and3A, %and3A_195 : vector<8x768xi1>
      %jit3A_197 = arith.constant 0.000000e+00 : f32
      %broadcast_in_dim3A_198 = vector.broadcast %jit3A_197 : f32 to vector<8x768xf32>
      %select_n3A_199 = arith.select %and3A_196, %broadcast_in_dim3A_198, %scan3A_125 : vector<8x768xi1>, vector<8x768xf32>
      scf.yield %select_n3A_199 : vector<8x768xf32>
    }
    %scan3A_117 = arith.constant 6000 : i32
    %swap3A_118 = arith.constant 0 : index
    %swap3A_119 = arith.constant 0 : index
    %swap3A_120 = arith.constant 0 : index
    %swap3A_121 = vector.load %arg4[%swap3A_118, %swap3A_119, %swap3A_120] : memref<1x8x768xf32, #tpu.memory_space<vmem>>, vector<1x8x768xf32>
    %swap3A_122 = vector.shape_cast %swap3A_121 : vector<1x8x768xf32> to vector<8x768xf32>
    %swap3A_123 = vector.shape_cast %scan3A_116 : vector<8x768xf32> to vector<1x8x768xf32>
    tpu.vector_store %arg4[%swap3A_118, %swap3A_119, %swap3A_120], %swap3A_123 {strides = array<i32>} : memref<1x8x768xf32, #tpu.memory_space<vmem>>, vector<1x8x768xf32>,
    return
  }
  func.func @transform_0(%arg0: i32) -> (i32, i32, i32, i32) {
    %c0_i32 = arith.constant 0 : i32
    %c0_i32_0 = arith.constant 0 : i32
    %c0_i32_1 = arith.constant 0 : i32
    %c0_i32_2 = arith.constant 0 : i32
    return %arg0, %c0_i32, %c0_i32_0, %c0_i32_1 : i32, i32, i32, i32
  }
  func.func @transform_1(%arg0: i32) -> (i32, i32, i32, i32) {
    %c0_i32 = arith.constant 0 : i32
    %c0_i32_0 = arith.constant 0 : i32
    %c0_i32_1 = arith.constant 0 : i32
    %c0_i32_2 = arith.constant 0 : i32
    return %arg0, %c0_i32, %c0_i32_0, %c0_i32_1 : i32, i32, i32, i32
  }
  func.func @transform_2(%arg0: i32) -> (i32, i32, i32, i32) {
    %c0_i32 = arith.constant 0 : i32
    %c0_i32_0 = arith.constant 0 : i32
    %c0_i32_1 = arith.constant 0 : i32
    %c0_i32_2 = arith.constant 0 : i32
    return %arg0, %c0_i32, %c0_i32_0, %c0_i32_1 : i32, i32, i32, i32
  }
  func.func @transform_3(%arg0: i32) -> (i32, i32, i32) {
    %c0_i32 = arith.constant 0 : i32
    %c0_i32_0 = arith.constant 0 : i32
    %c0_i32_1 = arith.constant 0 : i32
    return %arg0, %c0_i32, %c0_i32_0 : i32, i32, i32
  }
}

</mosaic_0001>

<sc_bundles>
// kernel: gather_offload_async_start.1
scs
__scs_entry_jumppad:
0x0: {  	(pc) =	sbr.rel $0x88, $3  }
0x1: {  	(tag) =	ssettag $0x0;
	lr =	simm.s32 $0x1  }
0x2: {  	[smem:$0x3F9E] =	sst lr;
	_ =	strace $0xD0000000  }
0x3: {  	_ = 	snop  }
0x4: {  	_ = 	snop  }
0x5: {  	_ = 	snop  }
0x6: {  	_ = 	snop  }
0x7: {  	_ = 	snop  }
__scs_overlays_trampoline_lowered:
0x8: {  	[smem:$0x3FAD] =	sst s0  }
0x9: {  	[smem:$0x3FAE] =	sst s1  }
0xa: {  	[smem:$0x3FAF] =	sst s2  }
0xb: {  	[smem:$0x3FB0] =	sst s3  }
0xc: {  	[smem:$0x3FB1] =	sst s4  }
0xd: {  	[smem:$0x3FB2] =	sst s5  }
0xe: {  	[smem:$0x3FB3] =	sst s6  }
0xf: {  	[smem:$0x3FB4] =	sst s7  }
0x10: {  	[smem:$0x3FB5] =	sst s8  }
0x11: {  	[smem:$0x3FB6] =	sst s9;
	s0 =	simm.s32 @!p0 $0x0  }
0x12: {  	s1 =	sld [smem:$0x3F9C];
	s0 =	simm.s32 @p0 $0x1  }
0x13: {  	[smem:$0x3FB7] =	sst s0;
	s0 =	simm.s32 @!p1 $0x0  }
0x14: {  	s2 =	sld [smem:$0x3F9B];
	s0 =	simm.s32 @p1 $0x1  }
0x15: {  	[smem:$0x3FB8] =	sst s0;
	s0 =	simm.s32 @!p2 $0x0  }
0x16: {  	s3 =	sld [smem:$0x3FDB];
	s0 =	simm.s32 @p2 $0x1  }
0x17: {  	s4 =	simm.s32 $0x1BF5;
	[smem:$0x3FBA] =	sst s0  }
0x18: {  	s0 =	sld [smem:$0x3F9D];
	_ =	swait.ge [sflag:s4], $0x0  }
0x19: {  	s7 =	sld [smem:$0x3F9E]  }
0x1a: {  	s8 =	sadd.s32 $0xFFFFE003, lr  }
0x1b: {  	s9 =	sadd.s32 $0xFFFFFEF7, lr;
	s5 =	simm.s32 $0xFFFFFFFF;
	p2 =	slt.u32 s8, $0xFFFFF086  }
0x1c: {  	p1 =	slt.u32 s9, $0xF7A;
	s5 =	simm.s32 @!p2 $0x0  }
0x1d: {  	s5 =	simm.s32 @p1 $0x1;
	p0 =	seq.s32 s7, s2  }
0x1e: {  	s7 =	smul.u32 @!p0 $0xF7A, s2;
	p2 =	seq.s32 @!p0 s5, $0x0  }
0x1f: {  	s9 =	smul.u32 $0xF7A, s1;
	s8 =	simm.s32 @!p0 $0x1BF5;
	p2 =	por !p2, p0  }
0x20: {  	[sflag:s8] =	ssyncset.s32 @!p0 $0xFFFFF086;
	s6 =	sadd.s32 @!p0 s3, s7;
	s7 =	simm.s32 @!p0 $0x108  }
0x21: {  	s3 =	sadd.s32 s3, s9;
	s6 =	sadd.s32 @!p0 $0x88, s6;
	s7 =	simm.s32 @p2 $0x1082  }
0x22: {  	[simem:s7], [sflag:s8] =	dma.local @!p0 [hbm:s6], $0xF7A  }
0x23: {  	s9 =	sor.u32 $0xD0000000, s2;
	s6 =	simm.s32 $0x108;
	_ =	swait.ge @!p0 [sflag:s8], $0x0  }
0x24: {  	s3 =	sadd.s32 $0x88, s3;
	s6 =	simm.s32 @!p1 $0x1082;
	[sflag:s4] =	ssyncset.s32 $0xFFFFF086  }
0x25: {  	[simem:s6], [sflag:s4] =	dma.local [hbm:s3], $0xF7A  }
0x26: {  	[smem:$0x3F9E] =	sst s1;
	(tag) =	ssettag s2;
	_ =	strace s9  }
0x27: {  	s1 =	sld [smem:$0x3FAE]  }
0x28: {  	s2 =	sld [smem:$0x3FAF]  }
0x29: {  	s4 =	sld [smem:$0x3FB1]  }
0x2a: {  	p0 =	seq.s32 s5, $0x0;
	s5 =	sld [smem:$0x3FB2]  }
0x2b: {  	s6 =	sld [smem:$0x3FB3]  }
0x2c: {  	s7 =	sld [smem:$0x3FB4]  }
0x2d: {  	s3 =	simm.s32 $0x108;
	s8 =	sld [smem:$0x3FB5]  }
0x2e: {  	s3 =	simm.s32 @!p0 $0x1082;
	s9 =	sld [smem:$0x3FB6]  }
0x2f: {  	lr =	sadd.s32 s0, s3;
	s0 =	sld [smem:$0x3FAD]  }
0x30: {  	s3 =	sld [smem:$0x3FB0]  }
0x31: {  	[smem:$0x3FB9] =	sst s10  }
0x32: {  	s10 =	sld [smem:$0x3FB7];
	_ =	sdelay $0x3  }
0x33: {  	p0 =	seq.s32 s10, $0x1;
	s10 =	sld [smem:$0x3FB9];
	_ =	sdelay $0x3  }
0x34: {  	[smem:$0x3FB9] =	sst s10  }
0x35: {  	s10 =	sld [smem:$0x3FB8];
	_ =	sdelay $0x3  }
0x36: {  	p1 =	seq.s32 s10, $0x1;
	s10 =	sld [smem:$0x3FB9];
	_ =	sdelay $0x3  }
0x37: {  	[smem:$0x3FB9] =	sst s10  }
0x38: {  	s10 =	sld [smem:$0x3FBA]  }
0x39: {  	_ = 	snop;
	(pc) =	sbr.ind lr, $3  }
0x3a: {  	_ = 	snop  }
0x3b: {  	_ = 	snop  }
0x3c: {  	p2 =	seq.s32 s10, $0x1;
	s10 =	sld [smem:$0x3FB9]  }
0x3d: {  	_ =	shalt  }
0x3e: {  	_ =	shalt  }
0x3f: {  	_ =	shalt  }
0x40: {  	_ =	shalt  }
0x41: {  	_ =	shalt  }
0x42: {  	_ =	shalt  }
0x43: {  	_ =	shalt  }
0x44: {  	_ =	shalt  }
0x45: {  	_ =	shalt  }
0x46: {  	_ =	shalt  }
0x47: {  	_ =	shalt  }
0x48: {  	_ =	shalt  }
0x49: {  	_ =	shalt  }
0x4a: {  	_ =	shalt  }
0x4b: {  	_ =	shalt  }
0x4c: {  	_ =	shalt  }
0x4d: {  	_ =	shalt  }
0x4e: {  	_ =	shalt  }
0x4f: {  	_ =	shalt  }
0x50: {  	_ =	shalt  }
0x51: {  	_ =	shalt  }
0x52: {  	_ =	shalt  }
0x53: {  	_ =	shalt  }
0x54: {  	_ =	shalt  }
0x55: {  	_ =	shalt  }
0x56: {  	_ =	shalt  }
0x57: {  	_ =	shalt  }
0x58: {  	_ =	shalt  }
0x59: {  	_ =	shalt  }
0x5a: {  	_ =	shalt  }
0x5b: {  	_ =	shalt  }
0x5c: {  	_ =	shalt  }
0x5d: {  	_ =	shalt  }
0x5e: {  	_ =	shalt  }
0x5f: {  	_ =	shalt  }
0x60: {  	_ =	shalt  }
0x61: {  	_ =	shalt  }
0x62: {  	_ =	shalt  }
0x63: {  	_ =	shalt  }
0x64: {  	_ =	shalt  }
0x65: {  	_ =	shalt  }
0x66: {  	_ =	shalt  }
0x67: {  	_ =	shalt  }
0x68: {  	_ =	shalt  }
0x69: {  	_ =	shalt  }
0x6a: {  	_ =	shalt  }
0x6b: {  	_ =	shalt  }
0x6c: {  	_ =	shalt  }
0x6d: {  	_ =	shalt  }
0x6e: {  	_ =	shalt  }
0x6f: {  	_ =	shalt  }
0x70: {  	_ =	shalt  }
0x71: {  	_ =	shalt  }
0x72: {  	_ =	shalt  }
0x73: {  	_ =	shalt  }
0x74: {  	_ =	shalt  }
0x75: {  	_ =	shalt  }
0x76: {  	_ =	shalt  }
0x77: {  	_ =	shalt  }
0x78: {  	_ =	shalt  }
0x79: {  	_ =	shalt  }
0x7a: {  	_ =	shalt  }
0x7b: {  	_ =	shalt  }
0x7c: {  	_ =	shalt  }
0x7d: {  	_ =	shalt  }
0x7e: {  	_ =	shalt  }
0x7f: {  	_ =	shalt  }
0x80: {  	_ =	shalt  }
0x81: {  	_ =	shalt  }
0x82: {  	_ =	shalt  }
0x83: {  	_ =	shalt  }
0x84: {  	_ =	shalt  }
0x85: {  	_ =	shalt  }
0x86: {  	_ =	shalt  }
0x87: {  	_ =	shalt  }
.Lfunc_end0:
.L_simem_size_0:
called_computation.1_lowered:
.L_overlay_start_0:
0x88: {  	s2 =	sld [smem:$0x3FD9]  }
0x89: {  	s3 =	sld [smem:$0x3FFE];
	_ =	sdelay $0x1  }
0x8a: {  	s1 =	srdreg.scid  }
0x8b: {  	s0 =	sand.u32 $0x1, s1  }
0x8c: {  	s17 =	sshll.u32 s0, $0xA;
	s2 =	sadd.s32 s3, s2  }
0x8d: {  	s2 =	sadd.s32 s2, s17  }
0x8e: {  	[smem:$0x3FC5] =	sst s2  }
0x8f: {  	_ = 	snop  }
0x90: {  	(tm) =	ssettm $0x1  }
0x91: {  	s18 =	sld [smem:$0x3FFB];
	_ =	sdelay $0x3  }
0x92: {  	_ =	strace s18  }
0x93: {  	s2 =	sld [smem:$0x3FFC];
	_ =	sdelay $0x3  }
0x94: {  	_ =	strace s2  }
0x95: {  	s2 =	sld [smem:$0x3FFD];
	_ =	sdelay $0x3  }
0x96: {  	_ =	strace s2  }
0x97: {  	_ =	strace $0x8FFFFFFF  }
0x98: {  	s19 =	sld [smem:$0x3FDB];
	_ =	sdelay $0x1  }
0x99: {  	s20 =	simm.s32 $_scs_section_size  }
0x9a: {  	s4 =	simm.s32 $_size__tile_overlayer_lowered;
	s5 =	simm.s32 $_tile_overlayer_lowered  }
0x9b: {  	s6 =	simm.s32 $0x1BFF;
	s21 =	sshll.u32 s5, $0x1;
	s3 =	sadd.s32 s20, s19  }
0x9c: {  	s22 =	simm.s32 $0x0;
	s4 =	sshll.u32 s4, $0x1;
	s5 =	sadd.s32 s21, s3  }
0x9d: {  	[timem:s22], [sflag:s6] =	dma.local [hbm:s5], s4  }
0x9e: {  	_ =	swait.ge [sflag:s6], s4  }
0x9f: {  	s4 =	ssub.s32 $0x0, s4;
	[sflag:s6] =	ssyncset.done $0x0  }
0xa0: {  	[sflag:s6] =	ssyncadd.s32 s4;
	_ =	sdelay $0x1  }
0xa1: {  	s23 =	simm.s32 $0x1B8B  }
0xa2: {  	_ =	swait.ge [sflag:s23], $0x1  }
0xa3: {  	[sflag:s23] =	ssyncset.done $0x0  }
0xa4: {  	[sflag:s23] =	ssyncadd.s32 $0xFFFFFFFF  }
0xa5: {  	s4 =	sld [smem:$0x0]  }
0xa6: {  	s5 =	sand.u32 $0xFFFFFFFE, s1  }
0xa7: {  	p0 =	sne.s32 s1, s5  }
0xa8: {  	s5 =	sshll.u32 @p0 s5, $0xE  }
0xa9: {  	s5 =	sadd.s32 @p0 $0x11B8D, s5;
	s6 =	sshll.u32 @p0 s4, $0x11  }
0xaa: {  	s5 =	sor.u32 @p0 s6, s5  }
0xab: {  	[sflag:s5] =	ssyncadd.remote.s32 @p0 $0x1;
	_ =	sdelay $0x1  }
0xac: {  	s5 =	simm.s32 @p0 $0x1B8D  }
0xad: {  	_ =	swait.eq @p0 [sflag:s5], $0x1  }
0xae: {  	[sflag:s5] =	ssyncadd.s32 @p0 $0xFFFFFFFF  }
0xaf: {  	s6 =	sshll.u32 @!p0 s1, $0xE  }
0xb0: {  	s6 =	sor.u32 @!p0 $0x4000, s6;
	s5 =	simm.s32 @!p0 $0x1B8D  }
0xb1: {  	s4 =	sshll.u32 @!p0 s4, $0x11;
	s6 =	sadd.s32 @!p0 $0x11B8D, s6;
	_ =	swait.eq @!p0 [sflag:s5], $0x1  }
0xb2: {  	s4 =	sor.u32 @!p0 s4, s6;
	[sflag:s5] =	ssyncadd.s32 @!p0 $0xFFFFFFFF  }
0xb3: {  	s25 =	simm.s32 $0x1B8E;
	s24 =	sld [smem:$0x3FFE];
	[sflag:s4] =	ssyncadd.remote.s32 @!p0 $0x1  }
0xb4: {  	s26 =	simm.s32 $execute0_lowered;
	[smem:$0x3FD2] =	sst s25  }
0xb5: {  	s5 =	sshll.u32 s26, $0x1;
	_ =	strace $0x80000049;
	[dreg:$0x1] =	wrdreg $0xFFFFFFFF  }
0xb6: {  	s28 =	simm.s32 $_size_execute0_lowered;
	s3 =	sadd.s32 s3, s5;
	[dreg:$0x0] =	wrdreg $0x0  }
0xb7: {  	s5 =	sshll.u32 s28, $0x1;
	[dreg:$0x2] =	wrdreg s3  }
0xb8: {  	[dreg:$0x3] =	wrdreg s5  }
0xb9: {  	[dreg:$0x4] =	wrdreg $0xC0  }
0xba: {  	_ =	task [dreg:s22], $0x5FFFF  }
0xbb: {  	[dreg:$0x1] =	wrdreg $0xFFFFFFFF  }
0xbc: {  	[dreg:$0x0] =	wrdreg $0x60  }
0xbd: {  	[dreg:$0x2] =	wrdreg s24  }
0xbe: {  	[dreg:$0x3] =	wrdreg $0xA  }
0xbf: {  	_ =	task.clear_ibuf [dreg:s22], $0x4FFFF;
	_ =	strace $0x90000049  }
0xc0: {  	s29 =	simm.s32 $0xA;
	_ =	strace $0x8000004B  }
0xc1: {  	_ =	swait.ge [sflag:s29], $0x1  }
0xc2: {  	[sflag:s29] =	ssyncadd.s32 $0xFFFFFFFF  }
0xc3: {  	_ =	strace $0x9000004B  }
0xc4: {  	_ =	sfence  }
0xc5: {  	s30 =	sld [smem:$0x0];
	_ =	sdelay $0x2  }
0xc6: {  	s31 =	sshll.u32 s1, $0xD;
	s1 =	sshrl.u32 s1, $0x2  }
0xc7: {  	s4 =	sand.u32 $0x4000, s31;
	s1 =	sadd.s32 s1, s30  }
0xc8: {  	s0 =	sor.u32 s4, s0;
	s1 =	sshll.u32 s1, $0x11  }
0xc9: {  	s0 =	sor.u32 s1, s0  }
0xca: {  	s0 =	sadd.s32 $0x8F2B, s0  }
0xcb: {  	[sflag:s0] =	ssyncadd.remote.s32 $0x1  }
0xcc: {  	_ =	sfence.sel $0xFFFF  }
0xcd: {  	[dreg:$0x0] =	wrdreg $0xFFFFFFFF;
	(pc) =	sbr.abs _section_cstart, $3  }
0xce: {  	[dreg:$0x1] =	wrdreg $0xFFFFFFFF  }
0xcf: {  	_ =	task.clear_ibuf [dreg:s22], $0x2FFFF;
	_ =	strace $0x9FFFFFFF  }
0xd0: {  	(tm) =	ssettm $0x7FFFFFFF  }
0xd1: {  	_ =	shalt  }
tec
execute0_lowered:
.L_overlay_start_1:
0x0: {  	(tag) =	ssettag $0x1  }
0x1: {  	s0 =	srdreg.scid  }
0x2: {  	s1 =	sshll.u32 s0, $0x4  }
0x3: {  	s0 =	stileid.u32;
	s1 =	sand.u32 $0x10, s1  }
0x4: {  	s2 =	sor.u32 s0, s1  }
0x5: {  	s1 =	smin.u32 s2, $0x1C  }
0x6: {  	s1 =	sadd.s32 s2, s1  }
0x7: {  	p0 =	slt.u32 s2, $0x1C;
	s2 =	simm.s32 $0x190;
	s1 =	smul.u32 $0xC8, s1  }
0x8: {  	s2 =	simm.s32 @!p0 $0xC8  }
0x9: {  	s2 =	sadd.s32 s2, s1  }
0xa: {  	s3 =	smin.u32 s2, $0x2EE0  }
0xb: {  	s7 =	ssub.s32 s3, s1  }
0xc: {  	p0 =	sgt.s32 s7, $0x0  }
0xd: {  	s7 =	simm.s32 @!p0 $0x0  }
0xe: {  	s31 =	sand.u32 $0xFFF8, s7  }
0xf: {  	s2 =	sshrl.u32 s31, $0x3  }
0x10: {  	s2 =	smul.u32 $0x147B, s2  }
0x11: {  	s9 =	rddreg [dreg:$0x0];
	s6 =	simm.s32 $0x1;
	s11 =	simm.s32 $0x3  }
0x12: {  	s13 =	simm.s32 $0x0;
	s12 =	simm.s32 $0x0;
	s8 =	sshrl.u32 s2, $0x11  }
0x13: {  	s4 =	sadd.s32 $0x51200, s9;
	s5 =	sadd.s32 $0x50C00, s9;
	s10 =	smul.u32 $0xC8, s8  }
.Ltmp0:
0x14: {  	s9 =	sadd.s32 $0x94C00, s9;
	s2 =	rddreg [dreg:$0x1];
	(pc) =	sbr.rel .LBB2_1-.Ltmp0, $4  }
0x15: {  	_ =	strace $0x8000004A;
	p0 =	sne.s32 s7, s10;
	s10 =	simm.s32 $0x1  }
0x16: {  	[sflag:s6] =	ssyncpa.u1 $0x0;
	s7 =	simm.s32 $0x2;
	s10 =	simm.s32 @!p0 $0x0  }
0x17: {  	[sflag:s7] =	ssyncpa.u1 $0x0;
	p0 =	por $0x0, $0x0;
	s8 =	sadd.s32 s8, s10  }
0x18: {  	vm0 =	vmmov $0xff;
	vm1 =	vcmask $0x3F20;
	[sflag:s11] =	ssyncpa.u1 $0x0;
	s11 =	smov.u32 s1;
	s10 =	sadd.s32 $0x1, s8  }
.LBB2_6:
0x19: {  	[hbm:s17] =	stream.linear.scatter [tilespmem:s14], [sflag:$0x3], $0x400, $0x38;
	[tilespmem:$0xC990] =	vst v63  }
.LBB2_7:
0x1a: {  	s13 =	sadd.s32 $0xC8, s11  }
0x1b: {  	s15 =	smov.u32 s1;
	p2 =	slt.s32 s13, s3  }
0x1c: {  	s15 =	smov.u32 @p2 s13;
	p2 =	sne.s32 s12, s10  }
.Ltmp1:
0x1d: {  	p1 =	slt.u32 s12, $0x2;
	(pc) =	sbr.rel @!p2 .LBB2_8-.Ltmp1, $4  }
0x1e: {  	s14 =	simm.s32 @!p1 $0x3  }
0x1f: {  	s16 =	sadd.s32 $0x1, s12;
	_ =	swait.ge @!p1 [sflag:s14], $0x6400  }
0x20: {  	p0 =	por !p0, !p0;
	s13 =	smov.u32 s11;
	[sflag:s14] =	ssyncset.done @!p1 $0x0  }
0x21: {  	s12 =	smov.u32 s16;
	s11 =	smov.u32 s15;
	[sflag:s14] =	ssyncadd.s32 @!p1 $0xFFFF9C00  }
.LBB2_1:
0x22: {  	p1 =	sge.u32 s12, s8  }
0x23: {  	s14 =	sxor.u32 @!p1 $0xFFFFFFFF, s12  }
0x24: {  	s14 =	sand.u32 @!p1 $0x1, s14  }
0x25: {  	s14 =	smul.u32 @!p1 $0x320, s14  }
0x26: {  	s31 =	sadd.s32 $0xFFFFFFFF, s12;
	s15 =	sshrl.u32 @!p1 s11, $0x3  }
0x27: {  	s16 =	sand.u32 @!p1 $0x7, s11;
	s15 =	sadd.s32 @!p1 s5, s15;
	s14 =	sshrl.u32 @!p1 s14, $0x2  }
0x28: {  	[tilespmem:s14], [sflag:$0x2] =	stream.linear.gather @!p1 [hbm4b:s15+s16], $0xC8, $0x38;
	[tilespmem:$0xC990] =	vst v63  }
0x29: {  	p1 =	sge.u32 s31, s8  }
.Ltmp2:
0x2a: {  	_ = 	snop;
	(pc) =	sbr.rel @p1 .LBB2_7-.Ltmp2, $1  }
0x2b: {  	_ =	sdelay $0x3  }
0x2c: {  	s14 =	simm.s32 $0x1  }
0x2d: {  	s14 =	simm.s32 @!p0 $0x0  }
0x2e: {  	s15 =	smul.u32 $0x320, s14  }
0x2f: {  	_ =	swait.ge [sflag:s7], $0xC8  }
0x30: {  	[sflag:s7] =	ssyncset.done $0x0;
	s17 =	sshrl.u32 s15, $0x2  }
0x31: {  	[sflag:s7] =	ssyncadd.s32 $0xFFFFFF38;
	s15 =	sadd.s32 $0x0, s17  }
0x32: {  	v0 =	vld.msk [tilespmem:s15+$0x0 ss:$0x1], $0xffff;
	_ =	sdelay $0x4  }
0x33: {  	vm2 =	veq.s32 v0, $0x80000000;
	v1 =	vand.u32 $0x1, v0;
	v0 =	vshll.u32 v0, $0x7  }
0x34: {  	v1 =	vsel vm2, $0xFFFFFFFF, v1;
	v0 =	vand.u32 $0x3FFF00, v0  }
0x35: {  	v0 =	vsel vm2, $0xFFFFFF00, v0;
	v2 =	vand.u32 $0xFFFFFF00, v1;
	v1 =	vshll.u32 v1, $0x7  }
0x36: {  	v0 =	vadd.s32 v2, v0;
	v1 =	vand.u32 $0x80, v1  }
0x37: {  	v0 =	vor.u32 v1, v0  }
0x38: {  	v0 =	vshrl.u32 v0, $0x3  }
0x39: {  	s14 =	smul.u32 $0x19000, s14  }
0x3a: {  	s31 =	sand.u32 $0x1, s12  }
0x3b: {  	s16 =	smul.u32 $0x320, s31;
	s14 =	sshrl.u32 s14, $0x2  }
0x3c: {  	s19 =	smul.u32 $0x19000, s31;
	s14 =	sor.u32 $0x190, s14  }
0x3d: {  	[tilespmem:s14], [sflag:$0x1] =	stream.indirect_vreg.gather [hbm:s4], $0x80, v0, vm0, $0x38;
	[tilespmem:$0xC990] =	vst v63  }
0x3e: {  	s18 =	sshrl.u32 s16, $0x2;
	s20 =	sadd.s32 $0x10, s17;
	s15 =	sadd.s32 $0x400, s14  }
0x3f: {  	[tilespmem:s15], [sflag:$0x1] =	stream.indirect_vreg.gather [hbm:s4], $0x80, v0, vm1, $0x38;
	[tilespmem:$0xC990] =	vst v63  }
0x40: {  	s16 =	sshrl.u32 s19, $0x2;
	s19 =	smov.u32 s14;
	v0 =	vld.msk [tilespmem:s20+$0x0 ss:$0x1], $0xffff;
	s20 =	simm.s32 $0x80  }
.LBB2_3:
0x41: {  	p1 =	sne.s32 s20, $0x2C0;
	_ =	sdelay $0x4  }
0x42: {  	vm2 =	veq.s32 v0, $0x80000000;
	v1 =	vand.u32 $0x1, v0;
	v0 =	vshll.u32 v0, $0x7  }
0x43: {  	v1 =	vsel vm2, $0xFFFFFFFF, v1;
	v0 =	vand.u32 $0x3FFF00, v0  }
0x44: {  	v0 =	vsel vm2, $0xFFFFFF00, v0;
	v2 =	vand.u32 $0xFFFFFF00, v1;
	v1 =	vshll.u32 v1, $0x7  }
0x45: {  	v0 =	vadd.s32 v2, v0;
	v1 =	vand.u32 $0x80, v1  }
0x46: {  	v0 =	vor.u32 v1, v0  }
0x47: {  	v0 =	vshrl.u32 v0, $0x3;
	_ =	sdelay $0x3  }
.Ltmp3:
0x48: {  	s21 =	sshra.s32 s20, $0x2;
	s19 =	sadd.s32 $0x800, s19;
	(pc) =	sbr.rel @p1 .LBB2_3-.Ltmp3, $4  }
0x49: {  	[tilespmem:s19], [sflag:$0x1] =	stream.indirect_vreg.gather [hbm:s4], $0x80, v0, vm0, $0x38;
	[tilespmem:$0xC990] =	vst v63  }
0x4a: {  	s21 =	sadd.s32 s21, s17;
	s22 =	sadd.s32 $0x400, s19  }
0x4b: {  	[tilespmem:s22], [sflag:$0x1] =	stream.indirect_vreg.gather [hbm:s4], $0x80, v0, vm1, $0x38;
	[tilespmem:$0xC990] =	vst v63  }
0x4c: {  	s20 =	sadd.s32 $0x40, s20;
	v0 =	vld.msk [tilespmem:s21+$0x0 ss:$0x1], $0xffff  }
0x4d: {  	_ =	sdelay $0x3  }
0x4e: {  	vm2 =	veq.s32 v0, $0x80000000;
	v1 =	vand.u32 $0x1, v0;
	v61 =	vshll.u32 v0, $0x7  }
0x4f: {  	v1 =	vsel vm2, $0xFFFFFFFF, v1;
	v0 =	vand.u32 $0x3FFF00, v61  }
0x50: {  	v0 =	vsel vm2, $0xFFFFFF00, v0;
	v2 =	vand.u32 $0xFFFFFF00, v1;
	v1 =	vshll.u32 v1, $0x7  }
0x51: {  	v0 =	vadd.s32 v2, v0;
	v1 =	vand.u32 $0x80, v1  }
0x52: {  	v0 =	vor.u32 v1, v0  }
0x53: {  	v0 =	vshrl.u32 v0, $0x3;
	_ =	sdelay $0x3  }
0x54: {  	s17 =	sadd.s32 $0x800, s19  }
0x55: {  	[tilespmem:s17], [sflag:$0x1] =	stream.indirect_vreg.gather [hbm:s4], $0x80, v0, vm0, $0x38;
	[tilespmem:$0xC990] =	vst v63  }
0x56: {  	s17 =	sadd.s32 $0x400, s17  }
0x57: {  	[tilespmem:s17], [sflag:$0x1] =	stream.indirect_vreg.gather [hbm:s4], $0x80, v0, vm1, $0x38;
	[tilespmem:$0xC990] =	vst v63  }
0x58: {  	v0 =	vld.msk [tilespmem:s18+$0xC0 ss:$0x1], $0xff;
	_ =	sdelay $0x4  }
0x59: {  	vm2 =	veq.s32 v0, $0x80000000;
	v62 =	vand.u32 $0x1, v0;
	v0 =	vshll.u32 v0, $0x7  }
0x5a: {  	v1 =	vsel vm2, $0xFFFFFFFF, v62;
	v0 =	vand.u32 $0x3FFF00, v0  }
0x5b: {  	v0 =	vsel vm2, $0xFFFFFF00, v0;
	v63 =	vand.u32 $0xFFFFFF00, v1;
	v1 =	vshll.u32 v1, $0x7  }
0x5c: {  	v0 =	vadd.s32 v63, v0;
	v1 =	vand.u32 $0x80, v1  }
0x5d: {  	v0 =	vor.u32 v1, v0  }
0x5e: {  	v0 =	vshrl.u32 v0, $0x3;
	_ =	sdelay $0x3  }
0x5f: {  	s16 =	sadd.s32 $0x6190, s16  }
0x60: {  	[tilespmem:s16], [sflag:$0x1] =	stream.indirect_vreg.gather [hbm:s4], $0x80, v0, vm0, $0x38;
	[tilespmem:$0xC990] =	vst v63  }
0x61: {  	s13 =	sshll.u32 s13, $0x4;
	_ =	swait.ge [sflag:s6], $0x6400  }
0x62: {  	s13 =	sadd.s32 s13, s9;
	[sflag:s6] =	ssyncset.done $0x0  }
0x63: {  	s17 =	sadd.s32 $0x0, s13;
	s16 =	simm.s32 $0x80;
	[sflag:s6] =	ssyncadd.s32 $0xFFFF9C00  }
.LBB2_5:
0x64: {  	[hbm:s17] =	stream.linear.scatter [tilespmem:s14], [sflag:$0x3], $0x400, $0x38;
	[tilespmem:$0xC990] =	vst v63  }
0x65: {  	s17 =	smov.u32 s16;
	s14 =	smov.u32 s15;
	p1 =	sne.s32 s16, $0xC00  }
.Ltmp4:
0x66: {  	s16 =	sadd.s32 $0x80, s16;
	(pc) =	sbr.rel @p1 .LBB2_5-.Ltmp4, $2  }
0x67: {  	_ =	sdelay $0x2  }
0x68: {  	s15 =	sadd.s32 $0x400, s15;
	s17 =	sadd.s32 s17, s13  }
.Ltmp5:
0x69: {  	_ = 	snop;
	(pc) =	sbr.rel .LBB2_6-.Ltmp5, $1  }
0x6a: {  	_ =	sdelay $0x3  }
.LBB2_8:
0x6b: {  	_ =	sfence.sel $0x180000  }
0x6c: {  	s1 =	simm.s32 $0x2;
	[bflag:$0x0] =	sbarrier.arrive $0xFFFF  }
0x6d: {  	s30 =	simm.s32 $0x3;
	[sflag:s1] =	ssyncpa.u1 $0x1  }
0x6e: {  	s31 =	simm.s32 $0x1;
	[sflag:s30] =	ssyncpa.u1 $0x1  }
0x6f: {  	[sflag:s31] =	ssyncpa.u1 $0x1  }
0x70: {  	p0 =	sne.s32 s0, $0x0;
	_ =	strace $0x9000004A  }
0x71: {  	s0 =	sadd.s32 @!p0 $0x100000, s2;
	[bflag:$0x2] =	sbarrier.arrive $0xFFFF  }
0x72: {  	[sflag:s0] =	ssyncadd.tile.s32 @!p0 $0x1;
	_ =	shalt  }
.Lfunc_end2:
_tile_overlayer_lowered:
.L_overlay_start_2:
0x73: {  	(tag) =	ssettag $0x2  }
0x74: {  	s0 =	rddreg [dreg:$0x0];
	s2 =	stileid.u32  }
0x75: {  	s1 =	rddreg [dreg:$0x1];
	p0 =	sne.s32 s2, $0x0  }
0x76: {  	s3 =	rddreg [dreg:$0x2];
	[bflag:$0x3] =	sbarrier.arrive $0xFFFF;
	s2 =	simm.s32 @!p0 $0x1C01  }
0x77: {  	[timem:s3], [sflag:s2] =	dma.local @!p0 [hbm:s0], s1  }
0x78: {  	s0 =	simm.s32 @!p0 $0x1  }
0x79: {  	_ =	swait.ge @!p0 [sflag:s0], s1  }
0x7a: {  	s1 =	ssub.s32 @!p0 $0x0, s1;
	[sflag:s0] =	ssyncset.done @!p0 $0x0  }
0x7b: {  	[sflag:s0] =	ssyncadd.s32 @!p0 s1  }
0x7c: {  	[bflag:$0x3] =	sbarrier.arrive $0xFFFF  }
0x7d: {  	_ =	shalt  }

// kernel: gather_offload_async_start.2
scs
__scs_entry_jumppad:
0x0: {  	(pc) =	sbr.rel $0x88, $3  }
0x1: {  	(tag) =	ssettag $0x0;
	lr =	simm.s32 $0x1  }
0x2: {  	[smem:$0x3F9E] =	sst lr;
	_ =	strace $0xD0000000  }
0x3: {  	_ = 	snop  }
0x4: {  	_ = 	snop  }
0x5: {  	_ = 	snop  }
0x6: {  	_ = 	snop  }
0x7: {  	_ = 	snop  }
__scs_overlays_trampoline_lowered:
0x8: {  	[smem:$0x3FAD] =	sst s0  }
0x9: {  	[smem:$0x3FAE] =	sst s1  }
0xa: {  	[smem:$0x3FAF] =	sst s2  }
0xb: {  	[smem:$0x3FB0] =	sst s3  }
0xc: {  	[smem:$0x3FB1] =	sst s4  }
0xd: {  	[smem:$0x3FB2] =	sst s5  }
0xe: {  	[smem:$0x3FB3] =	sst s6  }
0xf: {  	[smem:$0x3FB4] =	sst s7  }
0x10: {  	[smem:$0x3FB5] =	sst s8  }
0x11: {  	[smem:$0x3FB6] =	sst s9;
	s0 =	simm.s32 @!p0 $0x0  }
0x12: {  	s1 =	sld [smem:$0x3F9C];
	s0 =	simm.s32 @p0 $0x1  }
0x13: {  	[smem:$0x3FB7] =	sst s0;
	s0 =	simm.s32 @!p1 $0x0  }
0x14: {  	s2 =	sld [smem:$0x3F9B];
	s0 =	simm.s32 @p1 $0x1  }
0x15: {  	[smem:$0x3FB8] =	sst s0;
	s0 =	simm.s32 @!p2 $0x0  }
0x16: {  	s3 =	sld [smem:$0x3FDB];
	s0 =	simm.s32 @p2 $0x1  }
0x17: {  	s4 =	simm.s32 $0x1BF5;
	[smem:$0x3FBA] =	sst s0  }
0x18: {  	s0 =	sld [smem:$0x3F9D];
	_ =	swait.ge [sflag:s4], $0x0  }
0x19: {  	s7 =	sld [smem:$0x3F9E]  }
0x1a: {  	s8 =	sadd.s32 $0xFFFFE003, lr  }
0x1b: {  	s9 =	sadd.s32 $0xFFFFFEF7, lr;
	s5 =	simm.s32 $0xFFFFFFFF;
	p2 =	slt.u32 s8, $0xFFFFF086  }
0x1c: {  	p1 =	slt.u32 s9, $0xF7A;
	s5 =	simm.s32 @!p2 $0x0  }
0x1d: {  	s5 =	simm.s32 @p1 $0x1;
	p0 =	seq.s32 s7, s2  }
0x1e: {  	s7 =	smul.u32 @!p0 $0xF7A, s2;
	p2 =	seq.s32 @!p0 s5, $0x0  }
0x1f: {  	s9 =	smul.u32 $0xF7A, s1;
	s8 =	simm.s32 @!p0 $0x1BF5;
	p2 =	por !p2, p0  }
0x20: {  	[sflag:s8] =	ssyncset.s32 @!p0 $0xFFFFF086;
	s6 =	sadd.s32 @!p0 s3, s7;
	s7 =	simm.s32 @!p0 $0x108  }
0x21: {  	s3 =	sadd.s32 s3, s9;
	s6 =	sadd.s32 @!p0 $0x88, s6;
	s7 =	simm.s32 @p2 $0x1082  }
0x22: {  	[simem:s7], [sflag:s8] =	dma.local @!p0 [hbm:s6], $0xF7A  }
0x23: {  	s9 =	sor.u32 $0xD0000000, s2;
	s6 =	simm.s32 $0x108;
	_ =	swait.ge @!p0 [sflag:s8], $0x0  }
0x24: {  	s3 =	sadd.s32 $0x88, s3;
	s6 =	simm.s32 @!p1 $0x1082;
	[sflag:s4] =	ssyncset.s32 $0xFFFFF086  }
0x25: {  	[simem:s6], [sflag:s4] =	dma.local [hbm:s3], $0xF7A  }
0x26: {  	[smem:$0x3F9E] =	sst s1;
	(tag) =	ssettag s2;
	_ =	strace s9  }
0x27: {  	s1 =	sld [smem:$0x3FAE]  }
0x28: {  	s2 =	sld [smem:$0x3FAF]  }
0x29: {  	s4 =	sld [smem:$0x3FB1]  }
0x2a: {  	p0 =	seq.s32 s5, $0x0;
	s5 =	sld [smem:$0x3FB2]  }
0x2b: {  	s6 =	sld [smem:$0x3FB3]  }
0x2c: {  	s7 =	sld [smem:$0x3FB4]  }
0x2d: {  	s3 =	simm.s32 $0x108;
	s8 =	sld [smem:$0x3FB5]  }
0x2e: {  	s3 =	simm.s32 @!p0 $0x1082;
	s9 =	sld [smem:$0x3FB6]  }
0x2f: {  	lr =	sadd.s32 s0, s3;
	s0 =	sld [smem:$0x3FAD]  }
0x30: {  	s3 =	sld [smem:$0x3FB0]  }
0x31: {  	[smem:$0x3FB9] =	sst s10  }
0x32: {  	s10 =	sld [smem:$0x3FB7];
	_ =	sdelay $0x3  }
0x33: {  	p0 =	seq.s32 s10, $0x1;
	s10 =	sld [smem:$0x3FB9];
	_ =	sdelay $0x3  }
0x34: {  	[smem:$0x3FB9] =	sst s10  }
0x35: {  	s10 =	sld [smem:$0x3FB8];
	_ =	sdelay $0x3  }
0x36: {  	p1 =	seq.s32 s10, $0x1;
	s10 =	sld [smem:$0x3FB9];
	_ =	sdelay $0x3  }
0x37: {  	[smem:$0x3FB9] =	sst s10  }
0x38: {  	s10 =	sld [smem:$0x3FBA]  }
0x39: {  	_ = 	snop;
	(pc) =	sbr.ind lr, $3  }
0x3a: {  	_ = 	snop  }
0x3b: {  	_ = 	snop  }
0x3c: {  	p2 =	seq.s32 s10, $0x1;
	s10 =	sld [smem:$0x3FB9]  }
0x3d: {  	_ =	shalt  }
0x3e: {  	_ =	shalt  }
0x3f: {  	_ =	shalt  }
0x40: {  	_ =	shalt  }
0x41: {  	_ =	shalt  }
0x42: {  	_ =	shalt  }
0x43: {  	_ =	shalt  }
0x44: {  	_ =	shalt  }
0x45: {  	_ =	shalt  }
0x46: {  	_ =	shalt  }
0x47: {  	_ =	shalt  }
0x48: {  	_ =	shalt  }
0x49: {  	_ =	shalt  }
0x4a: {  	_ =	shalt  }
0x4b: {  	_ =	shalt  }
0x4c: {  	_ =	shalt  }
0x4d: {  	_ =	shalt  }
0x4e: {  	_ =	shalt  }
0x4f: {  	_ =	shalt  }
0x50: {  	_ =	shalt  }
0x51: {  	_ =	shalt  }
0x52: {  	_ =	shalt  }
0x53: {  	_ =	shalt  }
0x54: {  	_ =	shalt  }
0x55: {  	_ =	shalt  }
0x56: {  	_ =	shalt  }
0x57: {  	_ =	shalt  }
0x58: {  	_ =	shalt  }
0x59: {  	_ =	shalt  }
0x5a: {  	_ =	shalt  }
0x5b: {  	_ =	shalt  }
0x5c: {  	_ =	shalt  }
0x5d: {  	_ =	shalt  }
0x5e: {  	_ =	shalt  }
0x5f: {  	_ =	shalt  }
0x60: {  	_ =	shalt  }
0x61: {  	_ =	shalt  }
0x62: {  	_ =	shalt  }
0x63: {  	_ =	shalt  }
0x64: {  	_ =	shalt  }
0x65: {  	_ =	shalt  }
0x66: {  	_ =	shalt  }
0x67: {  	_ =	shalt  }
0x68: {  	_ =	shalt  }
0x69: {  	_ =	shalt  }
0x6a: {  	_ =	shalt  }
0x6b: {  	_ =	shalt  }
0x6c: {  	_ =	shalt  }
0x6d: {  	_ =	shalt  }
0x6e: {  	_ =	shalt  }
0x6f: {  	_ =	shalt  }
0x70: {  	_ =	shalt  }
0x71: {  	_ =	shalt  }
0x72: {  	_ =	shalt  }
0x73: {  	_ =	shalt  }
0x74: {  	_ =	shalt  }
0x75: {  	_ =	shalt  }
0x76: {  	_ =	shalt  }
0x77: {  	_ =	shalt  }
0x78: {  	_ =	shalt  }
0x79: {  	_ =	shalt  }
0x7a: {  	_ =	shalt  }
0x7b: {  	_ =	shalt  }
0x7c: {  	_ =	shalt  }
0x7d: {  	_ =	shalt  }
0x7e: {  	_ =	shalt  }
0x7f: {  	_ =	shalt  }
0x80: {  	_ =	shalt  }
0x81: {  	_ =	shalt  }
0x82: {  	_ =	shalt  }
0x83: {  	_ =	shalt  }
0x84: {  	_ =	shalt  }
0x85: {  	_ =	shalt  }
0x86: {  	_ =	shalt  }
0x87: {  	_ =	shalt  }
.Lfunc_end0:
.L_simem_size_0:
called_computation.2_lowered:
.L_overlay_start_0:
0x88: {  	s0 =	sld [smem:$0x3FD9]  }
0x89: {  	s1 =	sld [smem:$0x3FFE];
	_ =	sdelay $0x3  }
0x8a: {  	s0 =	sadd.s32 s1, s0  }
0x8b: {  	[smem:$0x3FC5] =	sst s0  }
0x8c: {  	_ = 	snop  }
0x8d: {  	s0 =	sld [smem:$0x3FD0];
	_ =	sdelay $0x2  }
0x8e: {  	s13 =	simm.s32 $0xB;
	s2 =	simm.s32 $0x10  }
0x8f: {  	[smem:s2], [sflag:s13] =	dma.local [hbm:s0], $0x1  }
0x90: {  	_ =	swait.eq [sflag:s13], $0x1  }
0x91: {  	[sflag:s13] =	ssyncset.done $0x0  }
0x92: {  	[sflag:s13] =	ssyncadd.s32 $0xFFFFFFFF  }
0x93: {  	s14 =	sld [smem:$0x10];
	(tm) =	ssettm $0x1  }
0x94: {  	s15 =	sld [smem:$0x3FFB];
	_ =	sdelay $0x3  }
0x95: {  	_ =	strace s15  }
0x96: {  	s1 =	sld [smem:$0x3FFC];
	_ =	sdelay $0x3  }
0x97: {  	_ =	strace s1  }
0x98: {  	s1 =	sld [smem:$0x3FFD];
	_ =	sdelay $0x3  }
0x99: {  	_ =	strace s1  }
0x9a: {  	_ =	strace $0x8FFFFFFF  }
0x9b: {  	s16 =	sld [smem:$0x3FDB];
	_ =	sdelay $0x1  }
0x9c: {  	s17 =	simm.s32 $_scs_section_size  }
0x9d: {  	s3 =	simm.s32 $_size__tile_overlayer_lowered;
	s4 =	simm.s32 $_tile_overlayer_lowered  }
0x9e: {  	s20 =	simm.s32 $0x1BFF;
	s19 =	sshll.u32 s4, $0x1;
	s1 =	sadd.s32 s17, s16  }
0x9f: {  	s5 =	simm.s32 $0x0;
	s18 =	sshll.u32 s3, $0x1;
	s3 =	sadd.s32 s19, s1  }
0xa0: {  	[timem:s5], [sflag:s20] =	dma.local [hbm:s3], s18  }
0xa1: {  	_ =	swait.ge [sflag:s20], s18  }
0xa2: {  	s2 =	ssub.s32 $0x0, s18;
	[sflag:s20] =	ssyncset.done $0x0  }
0xa3: {  	[sflag:s20] =	ssyncadd.s32 s2;
	_ =	sdelay $0x1  }
0xa4: {  	s21 =	simm.s32 $0x1B8B  }
0xa5: {  	_ =	swait.ge [sflag:s21], $0x1  }
0xa6: {  	[sflag:s21] =	ssyncset.done $0x0  }
0xa7: {  	s23 =	simm.s32 $0x1B8E;
	s22 =	sld [smem:$0x3FFE];
	[sflag:s21] =	ssyncadd.s32 $0xFFFFFFFF  }
0xa8: {  	s24 =	simm.s32 $execute0_lowered;
	[smem:$0x3FD2] =	sst s23  }
0xa9: {  	s3 =	sshll.u32 s24, $0x1;
	_ =	strace $0x8000004C;
	[dreg:$0x1] =	wrdreg $0xFFFFFFFF  }
0xaa: {  	s25 =	simm.s32 $_size_execute0_lowered;
	s1 =	sadd.s32 s1, s3;
	[dreg:$0x0] =	wrdreg $0x0  }
0xab: {  	s3 =	sshll.u32 s25, $0x1;
	[dreg:$0x2] =	wrdreg s1  }
0xac: {  	[dreg:$0x3] =	wrdreg s3  }
0xad: {  	[dreg:$0x4] =	wrdreg $0xC0  }
0xae: {  	_ =	task [dreg:s5], $0x5FFFF  }
0xaf: {  	[dreg:$0x1] =	wrdreg $0xFFFFFFFF  }
0xb0: {  	[dreg:$0x0] =	wrdreg $0x60  }
0xb1: {  	[dreg:$0x2] =	wrdreg s22  }
0xb2: {  	[dreg:$0x3] =	wrdreg s14  }
0xb3: {  	[dreg:$0x4] =	wrdreg $0x9  }
0xb4: {  	_ =	task.clear_ibuf [dreg:s5], $0x5FFFF;
	_ =	strace $0x9000004C  }
0xb5: {  	s26 =	simm.s32 $0x9;
	_ =	strace $0x8000004E  }
0xb6: {  	_ =	swait.ge [sflag:s26], $0x1  }
0xb7: {  	[sflag:s26] =	ssyncadd.s32 $0xFFFFFFFF  }
0xb8: {  	_ =	strace $0x9000004E  }
0xb9: {  	_ =	sfence  }
0xba: {  	s28 =	sld [smem:$0x0];
	_ =	sdelay $0x1  }
0xbb: {  	s29 =	srdreg.scid  }
0xbc: {  	s30 =	sshll.u32 s29, $0xD;
	s31 =	sshrl.u32 s29, $0x2  }
0xbd: {  	s2 =	sand.u32 $0x4000, s30;
	s1 =	sand.u32 $0x1, s29;
	s0 =	sadd.s32 s31, s28  }
0xbe: {  	s1 =	sor.u32 s2, s1;
	s0 =	sshll.u32 s0, $0x11  }
0xbf: {  	s0 =	sor.u32 s0, s1  }
0xc0: {  	s0 =	sadd.s32 $0x8F2B, s0  }
0xc1: {  	[sflag:s0] =	ssyncadd.remote.s32 $0x1  }
0xc2: {  	_ =	sfence.sel $0xFFFF  }
0xc3: {  	[dreg:$0x0] =	wrdreg $0xFFFFFFFF;
	(pc) =	sbr.abs _section_cstart, $3  }
0xc4: {  	[dreg:$0x1] =	wrdreg $0xFFFFFFFF  }
0xc5: {  	_ =	task.clear_ibuf [dreg:s5], $0x2FFFF;
	_ =	strace $0x9FFFFFFF  }
0xc6: {  	(tm) =	ssettm $0x7FFFFFFF  }
0xc7: {  	_ =	shalt  }
tec
execute0_lowered:
.L_overlay_start_1:
0x0: {  	(tag) =	ssettag $0x1  }
0x1: {  	s0 =	stileid.u32  }
0x2: {  	s1 =	smin.u32 s0, $0x9  }
0x3: {  	s1 =	sadd.s32 s0, s1  }
0x4: {  	s2 =	simm.s32 $0xF0;
	p0 =	slt.u32 s0, $0x9;
	s1 =	smul.u32 $0x78, s1  }
0x5: {  	s2 =	simm.s32 @!p0 $0x78  }
0x6: {  	s2 =	sadd.s32 s2, s1  }
0x7: {  	s3 =	smin.u32 s2, $0xBB8  }
0x8: {  	s7 =	ssub.s32 s3, s1  }
0x9: {  	p0 =	sgt.s32 s7, $0x0  }
0xa: {  	s7 =	simm.s32 @!p0 $0x0  }
0xb: {  	s4 =	rddreg [dreg:$0x0];
	s31 =	smul.u32 $0x8889, s7  }
0xc: {  	s5 =	rddreg [dreg:$0x1]  }
0xd: {  	s6 =	simm.s32 $0x1;
	s10 =	simm.s32 $0x3;
	s8 =	sshrl.u32 s31, $0x16  }
0xe: {  	s13 =	simm.s32 $0x0;
	s12 =	simm.s32 $0x0;
	s9 =	smul.u32 $0x78, s8  }
.Ltmp0:
0xf: {  	s11 =	smov.u32 s1;
	s2 =	rddreg [dreg:$0x2];
	(pc) =	sbr.rel .LBB2_1-.Ltmp0, $4  }
0x10: {  	_ =	strace $0x8000004D;
	p0 =	sne.s32 s7, s9;
	s9 =	simm.s32 $0x1  }
0x11: {  	[sflag:s6] =	ssyncpa.u1 $0x0;
	s7 =	simm.s32 $0x2;
	s9 =	simm.s32 @!p0 $0x0  }
0x12: {  	[sflag:s7] =	ssyncpa.u1 $0x0;
	p0 =	por $0x0, $0x0;
	s8 =	sadd.s32 s8, s9  }
0x13: {  	v0 =	vimm.s32 $0x0;
	vm0 =	vmmov $0xff;
	vm1 =	vcmask $0x3F20;
	s9 =	sadd.s32 $0x2EE00, s4;
	[sflag:s10] =	ssyncpa.u1 $0x0;
	s10 =	sadd.s32 $0x1, s8  }
.LBB2_6:
0x14: {  	[hbm:s17] =	stream.linear.scatter [tilespmem:s14], [sflag:$0x3], $0x400, $0x38;
	[tilespmem:$0x78F0] =	vst v63  }
.LBB2_7:
0x15: {  	s13 =	sadd.s32 $0x78, s11  }
0x16: {  	s15 =	smov.u32 s1;
	p2 =	slt.s32 s13, s3  }
0x17: {  	s15 =	smov.u32 @p2 s13;
	p2 =	sne.s32 s12, s10  }
.Ltmp1:
0x18: {  	p1 =	slt.u32 s12, $0x2;
	(pc) =	sbr.rel @!p2 .LBB2_8-.Ltmp1, $4  }
0x19: {  	s14 =	simm.s32 @!p1 $0x3  }
0x1a: {  	s16 =	sadd.s32 $0x1, s12;
	_ =	swait.ge @!p1 [sflag:s14], $0x3C00  }
0x1b: {  	p0 =	por !p0, !p0;
	s13 =	smov.u32 s11;
	[sflag:s14] =	ssyncset.done @!p1 $0x0  }
0x1c: {  	s12 =	smov.u32 s16;
	s11 =	smov.u32 s15;
	[sflag:s14] =	ssyncadd.s32 @!p1 $0xFFFFC400  }
.LBB2_1:
0x1d: {  	p1 =	sge.u32 s12, s8  }
0x1e: {  	s14 =	sxor.u32 @!p1 $0xFFFFFFFF, s12  }
0x1f: {  	s14 =	sand.u32 @!p1 $0x1, s14  }
0x20: {  	s14 =	smul.u32 @!p1 $0x1E0, s14  }
0x21: {  	s31 =	sadd.s32 $0xFFFFFFFF, s12;
	s15 =	sshrl.u32 @!p1 s11, $0x3  }
0x22: {  	s16 =	sand.u32 @!p1 $0x7, s11;
	s15 =	sadd.s32 @!p1 s5, s15;
	s14 =	sshrl.u32 @!p1 s14, $0x2  }
0x23: {  	[tilespmem:s14], [sflag:$0x2] =	stream.linear.gather @!p1 [hbm4b:s15+s16], $0x78, $0x38;
	[tilespmem:$0x78F0] =	vst v63  }
0x24: {  	p1 =	sge.u32 s31, s8  }
.Ltmp2:
0x25: {  	_ = 	snop;
	(pc) =	sbr.rel @p1 .LBB2_7-.Ltmp2, $1  }
0x26: {  	_ =	sdelay $0x3  }
0x27: {  	s14 =	simm.s32 $0x1  }
0x28: {  	s14 =	simm.s32 @!p0 $0x0  }
0x29: {  	s15 =	smul.u32 $0x1E0, s14  }
0x2a: {  	_ =	swait.ge [sflag:s7], $0x78  }
0x2b: {  	[sflag:s7] =	ssyncset.done $0x0;
	s17 =	sshrl.u32 s15, $0x2  }
0x2c: {  	[sflag:s7] =	ssyncadd.s32 $0xFFFFFF88;
	s15 =	sadd.s32 $0x0, s17  }
0x2d: {  	v1 =	vld.msk [tilespmem:s15+$0x0 ss:$0x1], $0xffff;
	_ =	sdelay $0x4  }
0x2e: {  	v2 =	vand.u32 $0x1, v1;
	v3 =	vshll.u32 v1, $0x6  }
0x2f: {  	vm2 =	veq.s32 v1, $0x80000000;
	vm3 =	veq.s32 v2, $0x1;
	v1 =	vand.u32 $0xFFF80, v3  }
0x30: {  	v2 =	vsel vm3, $0xBB800, v0;
	v1 =	vsel vm2, $0xFFFFFF80, v1  }
0x31: {  	v2 =	vsel vm2, $0xFFF44800, v2;
	v3 =	vand.u32 $0xFFFFFC00, v1  }
0x32: {  	v1 =	vand.u32 $0x380, v1;
	v2 =	vadd.s32 v2, v3  }
0x33: {  	v1 =	vor.u32 v1, v2  }
0x34: {  	v1 =	vshrl.u32 v1, $0x3  }
0x35: {  	s14 =	smul.u32 $0xF000, s14  }
0x36: {  	s31 =	sand.u32 $0x1, s12  }
0x37: {  	s16 =	smul.u32 $0x1E0, s31;
	s14 =	sshrl.u32 s14, $0x2  }
0x38: {  	s19 =	smul.u32 $0xF000, s31;
	s14 =	sor.u32 $0xF0, s14  }
0x39: {  	[tilespmem:s14], [sflag:$0x1] =	stream.indirect_vreg.gather [hbm:s4], $0x80, v1, vm0, $0x38;
	[tilespmem:$0x78F0] =	vst v63  }
0x3a: {  	s18 =	sshrl.u32 s16, $0x2;
	s20 =	sadd.s32 $0x10, s17;
	s15 =	sadd.s32 $0x400, s14  }
0x3b: {  	[tilespmem:s15], [sflag:$0x1] =	stream.indirect_vreg.gather [hbm:s4], $0x80, v1, vm1, $0x38;
	[tilespmem:$0x78F0] =	vst v63  }
0x3c: {  	s16 =	sshrl.u32 s19, $0x2;
	s19 =	smov.u32 s14;
	v1 =	vld.msk [tilespmem:s20+$0x0 ss:$0x1], $0xffff;
	s20 =	simm.s32 $0x80  }
.LBB2_3:
0x3d: {  	p1 =	sne.s32 s20, $0x180;
	_ =	sdelay $0x4  }
0x3e: {  	v2 =	vand.u32 $0x1, v1;
	v3 =	vshll.u32 v1, $0x6  }
0x3f: {  	vm2 =	veq.s32 v1, $0x80000000;
	vm3 =	veq.s32 v2, $0x1;
	v1 =	vand.u32 $0xFFF80, v3  }
0x40: {  	v2 =	vsel vm3, $0xBB800, v0;
	v1 =	vsel vm2, $0xFFFFFF80, v1  }
0x41: {  	v2 =	vsel vm2, $0xFFF44800, v2;
	v3 =	vand.u32 $0xFFFFFC00, v1  }
0x42: {  	v1 =	vand.u32 $0x380, v1;
	v2 =	vadd.s32 v2, v3  }
0x43: {  	v1 =	vor.u32 v1, v2  }
0x44: {  	v1 =	vshrl.u32 v1, $0x3;
	_ =	sdelay $0x3  }
.Ltmp3:
0x45: {  	s21 =	sshra.s32 s20, $0x2;
	s19 =	sadd.s32 $0x800, s19;
	(pc) =	sbr.rel @p1 .LBB2_3-.Ltmp3, $4  }
0x46: {  	[tilespmem:s19], [sflag:$0x1] =	stream.indirect_vreg.gather [hbm:s4], $0x80, v1, vm0, $0x38;
	[tilespmem:$0x78F0] =	vst v63  }
0x47: {  	s21 =	sadd.s32 s21, s17;
	s22 =	sadd.s32 $0x400, s19  }
0x48: {  	[tilespmem:s22], [sflag:$0x1] =	stream.indirect_vreg.gather [hbm:s4], $0x80, v1, vm1, $0x38;
	[tilespmem:$0x78F0] =	vst v63  }
0x49: {  	s20 =	sadd.s32 $0x40, s20;
	v1 =	vld.msk [tilespmem:s21+$0x0 ss:$0x1], $0xffff  }
0x4a: {  	_ =	sdelay $0x3  }
0x4b: {  	v2 =	vand.u32 $0x1, v1;
	v3 =	vshll.u32 v1, $0x6  }
0x4c: {  	vm2 =	veq.s32 v1, $0x80000000;
	vm3 =	veq.s32 v2, $0x1;
	v1 =	vand.u32 $0xFFF80, v3  }
0x4d: {  	v2 =	vsel vm3, $0xBB800, v0;
	v1 =	vsel vm2, $0xFFFFFF80, v1  }
0x4e: {  	v2 =	vsel vm2, $0xFFF44800, v2;
	v3 =	vand.u32 $0xFFFFFC00, v1  }
0x4f: {  	v1 =	vand.u32 $0x380, v1;
	v2 =	vadd.s32 v2, v3  }
0x50: {  	v1 =	vor.u32 v1, v2  }
0x51: {  	v1 =	vshrl.u32 v1, $0x3;
	_ =	sdelay $0x3  }
0x52: {  	s17 =	sadd.s32 $0x800, s19  }
0x53: {  	[tilespmem:s17], [sflag:$0x1] =	stream.indirect_vreg.gather [hbm:s4], $0x80, v1, vm0, $0x38;
	[tilespmem:$0x78F0] =	vst v63  }
0x54: {  	s17 =	sadd.s32 $0x400, s17  }
0x55: {  	[tilespmem:s17], [sflag:$0x1] =	stream.indirect_vreg.gather [hbm:s4], $0x80, v1, vm1, $0x38;
	[tilespmem:$0x78F0] =	vst v63  }
0x56: {  	v1 =	vld.msk [tilespmem:s18+$0x70 ss:$0x1], $0xff;
	_ =	sdelay $0x4  }
0x57: {  	v2 =	vand.u32 $0x1, v1;
	v3 =	vshll.u32 v1, $0x6  }
0x58: {  	vm2 =	veq.s32 v1, $0x80000000;
	vm3 =	veq.s32 v2, $0x1;
	v1 =	vand.u32 $0xFFF80, v3  }
0x59: {  	v2 =	vsel vm3, $0xBB800, v0;
	v1 =	vsel vm2, $0xFFFFFF80, v1  }
0x5a: {  	v2 =	vsel vm2, $0xFFF44800, v2;
	v3 =	vand.u32 $0xFFFFFC00, v1  }
0x5b: {  	v1 =	vand.u32 $0x380, v1;
	v2 =	vadd.s32 v2, v3  }
0x5c: {  	v1 =	vor.u32 v1, v2  }
0x5d: {  	v1 =	vshrl.u32 v1, $0x3;
	_ =	sdelay $0x3  }
0x5e: {  	s16 =	sadd.s32 $0x38F0, s16  }
0x5f: {  	[tilespmem:s16], [sflag:$0x1] =	stream.indirect_vreg.gather [hbm:s4], $0x80, v1, vm0, $0x38;
	[tilespmem:$0x78F0] =	vst v63  }
0x60: {  	s13 =	sshll.u32 s13, $0x4;
	_ =	swait.ge [sflag:s6], $0x3C00  }
0x61: {  	s13 =	sadd.s32 s13, s9;
	[sflag:s6] =	ssyncset.done $0x0  }
0x62: {  	s17 =	sadd.s32 $0x0, s13;
	s16 =	simm.s32 $0x80;
	[sflag:s6] =	ssyncadd.s32 $0xFFFFC400  }
.LBB2_5:
0x63: {  	[hbm:s17] =	stream.linear.scatter [tilespmem:s14], [sflag:$0x3], $0x400, $0x38;
	[tilespmem:$0x78F0] =	vst v63  }
0x64: {  	s17 =	smov.u32 s16;
	s14 =	smov.u32 s15;
	p1 =	sne.s32 s16, $0x700  }
.Ltmp4:
0x65: {  	s16 =	sadd.s32 $0x80, s16;
	(pc) =	sbr.rel @p1 .LBB2_5-.Ltmp4, $2  }
0x66: {  	_ =	sdelay $0x2  }
0x67: {  	s15 =	sadd.s32 $0x400, s15;
	s17 =	sadd.s32 s17, s13  }
.Ltmp5:
0x68: {  	_ = 	snop;
	(pc) =	sbr.rel .LBB2_6-.Ltmp5, $1  }
0x69: {  	_ =	sdelay $0x3  }
.LBB2_8:
0x6a: {  	_ =	sfence.sel $0x180000  }
0x6b: {  	s1 =	simm.s32 $0x2;
	[bflag:$0x0] =	sbarrier.arrive $0xFFFF  }
0x6c: {  	s30 =	simm.s32 $0x3;
	[sflag:s1] =	ssyncpa.u1 $0x1  }
0x6d: {  	s31 =	simm.s32 $0x1;
	[sflag:s30] =	ssyncpa.u1 $0x1  }
0x6e: {  	[sflag:s31] =	ssyncpa.u1 $0x1  }
0x6f: {  	p0 =	sne.s32 s0, $0x0;
	_ =	strace $0x9000004D  }
0x70: {  	s0 =	sadd.s32 @!p0 $0x100000, s2;
	[bflag:$0x2] =	sbarrier.arrive $0xFFFF  }
0x71: {  	[sflag:s0] =	ssyncadd.tile.s32 @!p0 $0x1;
	_ =	shalt  }
.Lfunc_end2:
_tile_overlayer_lowered:
.L_overlay_start_2:
0x72: {  	(tag) =	ssettag $0x2  }
0x73: {  	s0 =	rddreg [dreg:$0x0];
	s2 =	stileid.u32  }
0x74: {  	s1 =	rddreg [dreg:$0x1];
	p0 =	sne.s32 s2, $0x0  }
0x75: {  	s3 =	rddreg [dreg:$0x2];
	[bflag:$0x3] =	sbarrier.arrive $0xFFFF;
	s2 =	simm.s32 @!p0 $0x1C01  }
0x76: {  	[timem:s3], [sflag:s2] =	dma.local @!p0 [hbm:s0], s1  }
0x77: {  	s0 =	simm.s32 @!p0 $0x1  }
0x78: {  	_ =	swait.ge @!p0 [sflag:s0], s1  }
0x79: {  	s1 =	ssub.s32 @!p0 $0x0, s1;
	[sflag:s0] =	ssyncset.done @!p0 $0x0  }
0x7a: {  	[sflag:s0] =	ssyncadd.s32 @!p0 s1  }
0x7b: {  	[bflag:$0x3] =	sbarrier.arrive $0xFFFF  }
0x7c: {  	_ =	shalt  }

// kernel: gather_offload_async_start
scs
__scs_entry_jumppad:
0x0: {  	(pc) =	sbr.rel $0x88, $3  }
0x1: {  	(tag) =	ssettag $0x0;
	lr =	simm.s32 $0x1  }
0x2: {  	[smem:$0x3F9E] =	sst lr;
	_ =	strace $0xD0000000  }
0x3: {  	_ = 	snop  }
0x4: {  	_ = 	snop  }
0x5: {  	_ = 	snop  }
0x6: {  	_ = 	snop  }
0x7: {  	_ = 	snop  }
__scs_overlays_trampoline_lowered:
0x8: {  	[smem:$0x3FAD] =	sst s0  }
0x9: {  	[smem:$0x3FAE] =	sst s1  }
0xa: {  	[smem:$0x3FAF] =	sst s2  }
0xb: {  	[smem:$0x3FB0] =	sst s3  }
0xc: {  	[smem:$0x3FB1] =	sst s4  }
0xd: {  	[smem:$0x3FB2] =	sst s5  }
0xe: {  	[smem:$0x3FB3] =	sst s6  }
0xf: {  	[smem:$0x3FB4] =	sst s7  }
0x10: {  	[smem:$0x3FB5] =	sst s8  }
0x11: {  	[smem:$0x3FB6] =	sst s9;
	s0 =	simm.s32 @!p0 $0x0  }
0x12: {  	s1 =	sld [smem:$0x3F9C];
	s0 =	simm.s32 @p0 $0x1  }
0x13: {  	[smem:$0x3FB7] =	sst s0;
	s0 =	simm.s32 @!p1 $0x0  }
0x14: {  	s2 =	sld [smem:$0x3F9B];
	s0 =	simm.s32 @p1 $0x1  }
0x15: {  	[smem:$0x3FB8] =	sst s0;
	s0 =	simm.s32 @!p2 $0x0  }
0x16: {  	s3 =	sld [smem:$0x3FDB];
	s0 =	simm.s32 @p2 $0x1  }
0x17: {  	s4 =	simm.s32 $0x1BF5;
	[smem:$0x3FBA] =	sst s0  }
0x18: {  	s0 =	sld [smem:$0x3F9D];
	_ =	swait.ge [sflag:s4], $0x0  }
0x19: {  	s7 =	sld [smem:$0x3F9E]  }
0x1a: {  	s8 =	sadd.s32 $0xFFFFE003, lr  }
0x1b: {  	s9 =	sadd.s32 $0xFFFFFEF7, lr;
	s5 =	simm.s32 $0xFFFFFFFF;
	p2 =	slt.u32 s8, $0xFFFFF086  }
0x1c: {  	p1 =	slt.u32 s9, $0xF7A;
	s5 =	simm.s32 @!p2 $0x0  }
0x1d: {  	s5 =	simm.s32 @p1 $0x1;
	p0 =	seq.s32 s7, s2  }
0x1e: {  	s7 =	smul.u32 @!p0 $0xF7A, s2;
	p2 =	seq.s32 @!p0 s5, $0x0  }
0x1f: {  	s9 =	smul.u32 $0xF7A, s1;
	s8 =	simm.s32 @!p0 $0x1BF5;
	p2 =	por !p2, p0  }
0x20: {  	[sflag:s8] =	ssyncset.s32 @!p0 $0xFFFFF086;
	s6 =	sadd.s32 @!p0 s3, s7;
	s7 =	simm.s32 @!p0 $0x108  }
0x21: {  	s3 =	sadd.s32 s3, s9;
	s6 =	sadd.s32 @!p0 $0x88, s6;
	s7 =	simm.s32 @p2 $0x1082  }
0x22: {  	[simem:s7], [sflag:s8] =	dma.local @!p0 [hbm:s6], $0xF7A  }
0x23: {  	s9 =	sor.u32 $0xD0000000, s2;
	s6 =	simm.s32 $0x108;
	_ =	swait.ge @!p0 [sflag:s8], $0x0  }
0x24: {  	s3 =	sadd.s32 $0x88, s3;
	s6 =	simm.s32 @!p1 $0x1082;
	[sflag:s4] =	ssyncset.s32 $0xFFFFF086  }
0x25: {  	[simem:s6], [sflag:s4] =	dma.local [hbm:s3], $0xF7A  }
0x26: {  	[smem:$0x3F9E] =	sst s1;
	(tag) =	ssettag s2;
	_ =	strace s9  }
0x27: {  	s1 =	sld [smem:$0x3FAE]  }
0x28: {  	s2 =	sld [smem:$0x3FAF]  }
0x29: {  	s4 =	sld [smem:$0x3FB1]  }
0x2a: {  	p0 =	seq.s32 s5, $0x0;
	s5 =	sld [smem:$0x3FB2]  }
0x2b: {  	s6 =	sld [smem:$0x3FB3]  }
0x2c: {  	s7 =	sld [smem:$0x3FB4]  }
0x2d: {  	s3 =	simm.s32 $0x108;
	s8 =	sld [smem:$0x3FB5]  }
0x2e: {  	s3 =	simm.s32 @!p0 $0x1082;
	s9 =	sld [smem:$0x3FB6]  }
0x2f: {  	lr =	sadd.s32 s0, s3;
	s0 =	sld [smem:$0x3FAD]  }
0x30: {  	s3 =	sld [smem:$0x3FB0]  }
0x31: {  	[smem:$0x3FB9] =	sst s10  }
0x32: {  	s10 =	sld [smem:$0x3FB7];
	_ =	sdelay $0x3  }
0x33: {  	p0 =	seq.s32 s10, $0x1;
	s10 =	sld [smem:$0x3FB9];
	_ =	sdelay $0x3  }
0x34: {  	[smem:$0x3FB9] =	sst s10  }
0x35: {  	s10 =	sld [smem:$0x3FB8];
	_ =	sdelay $0x3  }
0x36: {  	p1 =	seq.s32 s10, $0x1;
	s10 =	sld [smem:$0x3FB9];
	_ =	sdelay $0x3  }
0x37: {  	[smem:$0x3FB9] =	sst s10  }
0x38: {  	s10 =	sld [smem:$0x3FBA]  }
0x39: {  	_ = 	snop;
	(pc) =	sbr.ind lr, $3  }
0x3a: {  	_ = 	snop  }
0x3b: {  	_ = 	snop  }
0x3c: {  	p2 =	seq.s32 s10, $0x1;
	s10 =	sld [smem:$0x3FB9]  }
0x3d: {  	_ =	shalt  }
0x3e: {  	_ =	shalt  }
0x3f: {  	_ =	shalt  }
0x40: {  	_ =	shalt  }
0x41: {  	_ =	shalt  }
0x42: {  	_ =	shalt  }
0x43: {  	_ =	shalt  }
0x44: {  	_ =	shalt  }
0x45: {  	_ =	shalt  }
0x46: {  	_ =	shalt  }
0x47: {  	_ =	shalt  }
0x48: {  	_ =	shalt  }
0x49: {  	_ =	shalt  }
0x4a: {  	_ =	shalt  }
0x4b: {  	_ =	shalt  }
0x4c: {  	_ =	shalt  }
0x4d: {  	_ =	shalt  }
0x4e: {  	_ =	shalt  }
0x4f: {  	_ =	shalt  }
0x50: {  	_ =	shalt  }
0x51: {  	_ =	shalt  }
0x52: {  	_ =	shalt  }
0x53: {  	_ =	shalt  }
0x54: {  	_ =	shalt  }
0x55: {  	_ =	shalt  }
0x56: {  	_ =	shalt  }
0x57: {  	_ =	shalt  }
0x58: {  	_ =	shalt  }
0x59: {  	_ =	shalt  }
0x5a: {  	_ =	shalt  }
0x5b: {  	_ =	shalt  }
0x5c: {  	_ =	shalt  }
0x5d: {  	_ =	shalt  }
0x5e: {  	_ =	shalt  }
0x5f: {  	_ =	shalt  }
0x60: {  	_ =	shalt  }
0x61: {  	_ =	shalt  }
0x62: {  	_ =	shalt  }
0x63: {  	_ =	shalt  }
0x64: {  	_ =	shalt  }
0x65: {  	_ =	shalt  }
0x66: {  	_ =	shalt  }
0x67: {  	_ =	shalt  }
0x68: {  	_ =	shalt  }
0x69: {  	_ =	shalt  }
0x6a: {  	_ =	shalt  }
0x6b: {  	_ =	shalt  }
0x6c: {  	_ =	shalt  }
0x6d: {  	_ =	shalt  }
0x6e: {  	_ =	shalt  }
0x6f: {  	_ =	shalt  }
0x70: {  	_ =	shalt  }
0x71: {  	_ =	shalt  }
0x72: {  	_ =	shalt  }
0x73: {  	_ =	shalt  }
0x74: {  	_ =	shalt  }
0x75: {  	_ =	shalt  }
0x76: {  	_ =	shalt  }
0x77: {  	_ =	shalt  }
0x78: {  	_ =	shalt  }
0x79: {  	_ =	shalt  }
0x7a: {  	_ =	shalt  }
0x7b: {  	_ =	shalt  }
0x7c: {  	_ =	shalt  }
0x7d: {  	_ =	shalt  }
0x7e: {  	_ =	shalt  }
0x7f: {  	_ =	shalt  }
0x80: {  	_ =	shalt  }
0x81: {  	_ =	shalt  }
0x82: {  	_ =	shalt  }
0x83: {  	_ =	shalt  }
0x84: {  	_ =	shalt  }
0x85: {  	_ =	shalt  }
0x86: {  	_ =	shalt  }
0x87: {  	_ =	shalt  }
.Lfunc_end0:
.L_simem_size_0:
called_computation_lowered:
.L_overlay_start_0:
0x88: {  	s2 =	sld [smem:$0x3FD9]  }
0x89: {  	s3 =	sld [smem:$0x3FFE];
	_ =	sdelay $0x1  }
0x8a: {  	s1 =	srdreg.scid  }
0x8b: {  	s0 =	sand.u32 $0x1, s1  }
0x8c: {  	s14 =	sshll.u32 s0, $0xA;
	s2 =	sadd.s32 s3, s2  }
0x8d: {  	s2 =	sadd.s32 s2, s14  }
0x8e: {  	[smem:$0x3FC5] =	sst s2  }
0x8f: {  	_ = 	snop  }
0x90: {  	s2 =	sld [smem:$0x3FD0];
	_ =	sdelay $0x2  }
0x91: {  	s15 =	simm.s32 $0xB;
	s4 =	simm.s32 $0x10  }
0x92: {  	[smem:s4], [sflag:s15] =	dma.local [hbm:s2], $0x1  }
0x93: {  	_ =	swait.eq [sflag:s15], $0x1  }
0x94: {  	[sflag:s15] =	ssyncset.done $0x0  }
0x95: {  	[sflag:s15] =	ssyncadd.s32 $0xFFFFFFFF  }
0x96: {  	s16 =	sld [smem:$0x10];
	(tm) =	ssettm $0x1  }
0x97: {  	s17 =	sld [smem:$0x3FFB];
	_ =	sdelay $0x3  }
0x98: {  	_ =	strace s17  }
0x99: {  	s3 =	sld [smem:$0x3FFC];
	_ =	sdelay $0x3  }
0x9a: {  	_ =	strace s3  }
0x9b: {  	s3 =	sld [smem:$0x3FFD];
	_ =	sdelay $0x3  }
0x9c: {  	_ =	strace s3  }
0x9d: {  	_ =	strace $0x8FFFFFFF  }
0x9e: {  	s18 =	sld [smem:$0x3FDB];
	_ =	sdelay $0x1  }
0x9f: {  	s19 =	simm.s32 $_scs_section_size  }
0xa0: {  	s5 =	simm.s32 $_size__tile_overlayer_lowered;
	s6 =	simm.s32 $_tile_overlayer_lowered  }
0xa1: {  	s22 =	simm.s32 $0x1BFF;
	s21 =	sshll.u32 s6, $0x1;
	s3 =	sadd.s32 s19, s18  }
0xa2: {  	s7 =	simm.s32 $0x0;
	s20 =	sshll.u32 s5, $0x1;
	s5 =	sadd.s32 s21, s3  }
0xa3: {  	[timem:s7], [sflag:s22] =	dma.local [hbm:s5], s20  }
0xa4: {  	_ =	swait.ge [sflag:s22], s20  }
0xa5: {  	s4 =	ssub.s32 $0x0, s20;
	[sflag:s22] =	ssyncset.done $0x0  }
0xa6: {  	[sflag:s22] =	ssyncadd.s32 s4;
	_ =	sdelay $0x1  }
0xa7: {  	s23 =	simm.s32 $0x1B8B  }
0xa8: {  	_ =	swait.ge [sflag:s23], $0x1  }
0xa9: {  	[sflag:s23] =	ssyncset.done $0x0  }
0xaa: {  	s25 =	simm.s32 $0x1B8E;
	s24 =	sld [smem:$0x3FFE];
	[sflag:s23] =	ssyncadd.s32 $0xFFFFFFFF  }
0xab: {  	s26 =	simm.s32 $execute0_lowered;
	[smem:$0x3FD2] =	sst s25  }
0xac: {  	s5 =	sshll.u32 s26, $0x1;
	_ =	strace $0x80000046;
	[dreg:$0x1] =	wrdreg $0xFFFFFFFF  }
0xad: {  	s28 =	simm.s32 $_size_execute0_lowered;
	s3 =	sadd.s32 s3, s5;
	[dreg:$0x0] =	wrdreg $0x0  }
0xae: {  	s5 =	sshll.u32 s28, $0x1;
	[dreg:$0x2] =	wrdreg s3  }
0xaf: {  	[dreg:$0x3] =	wrdreg s5  }
0xb0: {  	[dreg:$0x4] =	wrdreg $0xC0  }
0xb1: {  	_ =	task [dreg:s7], $0x5FFFF  }
0xb2: {  	[dreg:$0x1] =	wrdreg $0xFFFFFFFF  }
0xb3: {  	[dreg:$0x0] =	wrdreg $0x60  }
0xb4: {  	[dreg:$0x2] =	wrdreg s24  }
0xb5: {  	[dreg:$0x3] =	wrdreg s16  }
0xb6: {  	[dreg:$0x4] =	wrdreg $0x9  }
0xb7: {  	_ =	task.clear_ibuf [dreg:s7], $0x5FFFF;
	_ =	strace $0x90000046  }
0xb8: {  	s29 =	simm.s32 $0x9;
	_ =	strace $0x80000048  }
0xb9: {  	_ =	swait.ge [sflag:s29], $0x1  }
0xba: {  	[sflag:s29] =	ssyncadd.s32 $0xFFFFFFFF  }
0xbb: {  	_ =	strace $0x90000048  }
0xbc: {  	_ =	sfence  }
0xbd: {  	s30 =	sld [smem:$0x0];
	_ =	sdelay $0x2  }
0xbe: {  	s31 =	sshll.u32 s1, $0xD;
	s1 =	sshrl.u32 s1, $0x2  }
0xbf: {  	s3 =	sand.u32 $0x4000, s31;
	s1 =	sadd.s32 s1, s30  }
0xc0: {  	s0 =	sor.u32 s3, s0;
	s1 =	sshll.u32 s1, $0x11  }
0xc1: {  	s0 =	sor.u32 s1, s0  }
0xc2: {  	s0 =	sadd.s32 $0x8F2B, s0  }
0xc3: {  	[sflag:s0] =	ssyncadd.remote.s32 $0x1  }
0xc4: {  	_ =	sfence.sel $0xFFFF  }
0xc5: {  	[dreg:$0x0] =	wrdreg $0xFFFFFFFF;
	(pc) =	sbr.abs _section_cstart, $3  }
0xc6: {  	[dreg:$0x1] =	wrdreg $0xFFFFFFFF  }
0xc7: {  	_ =	task.clear_ibuf [dreg:s7], $0x2FFFF;
	_ =	strace $0x9FFFFFFF  }
0xc8: {  	(tm) =	ssettm $0x7FFFFFFF  }
0xc9: {  	_ =	shalt  }
tec
execute0_lowered:
.L_overlay_start_1:
0x0: {  	(tag) =	ssettag $0x1  }
0x1: {  	s0 =	srdreg.scid  }
0x2: {  	s1 =	sshll.u32 s0, $0x4  }
0x3: {  	s0 =	stileid.u32;
	s1 =	sand.u32 $0x10, s1  }
0x4: {  	s2 =	sor.u32 s0, s1  }
0x5: {  	s1 =	smin.u32 s2, $0x1C  }
0x6: {  	s1 =	sadd.s32 s2, s1  }
0x7: {  	p0 =	slt.u32 s2, $0x1C;
	s2 =	simm.s32 $0x190;
	s1 =	smul.u32 $0xC8, s1  }
0x8: {  	s2 =	simm.s32 @!p0 $0xC8  }
0x9: {  	s2 =	sadd.s32 s2, s1  }
0xa: {  	s3 =	smin.u32 s2, $0x2EE0  }
0xb: {  	s7 =	ssub.s32 s3, s1  }
0xc: {  	p0 =	sgt.s32 s7, $0x0  }
0xd: {  	s7 =	simm.s32 @!p0 $0x0  }
0xe: {  	s31 =	sand.u32 $0xFFF8, s7  }
0xf: {  	s2 =	sshrl.u32 s31, $0x3  }
0x10: {  	s4 =	rddreg [dreg:$0x0];
	s2 =	smul.u32 $0x147B, s2  }
0x11: {  	s5 =	rddreg [dreg:$0x1]  }
0x12: {  	s6 =	simm.s32 $0x1;
	s10 =	simm.s32 $0x3;
	s8 =	sshrl.u32 s2, $0x11  }
0x13: {  	s13 =	simm.s32 $0x0;
	s12 =	simm.s32 $0x0;
	s9 =	smul.u32 $0xC8, s8  }
.Ltmp0:
0x14: {  	s11 =	smov.u32 s1;
	s2 =	rddreg [dreg:$0x2];
	(pc) =	sbr.rel .LBB2_1-.Ltmp0, $4  }
0x15: {  	_ =	strace $0x80000047;
	p0 =	sne.s32 s7, s9;
	s9 =	simm.s32 $0x1  }
0x16: {  	[sflag:s6] =	ssyncpa.u1 $0x0;
	s7 =	simm.s32 $0x2;
	s9 =	simm.s32 @!p0 $0x0  }
0x17: {  	[sflag:s7] =	ssyncpa.u1 $0x0;
	p0 =	por $0x0, $0x0;
	s8 =	sadd.s32 s8, s9  }
0x18: {  	vm0 =	vmmov $0xff;
	vm1 =	vcmask $0x3F20;
	s9 =	sadd.s32 $0x21E00, s4;
	[sflag:s10] =	ssyncpa.u1 $0x0;
	s10 =	sadd.s32 $0x1, s8  }
.LBB2_6:
0x19: {  	[hbm:s17] =	stream.linear.scatter [tilespmem:s14], [sflag:$0x3], $0x400, $0x38;
	[tilespmem:$0xC990] =	vst v63  }
.LBB2_7:
0x1a: {  	s13 =	sadd.s32 $0xC8, s11  }
0x1b: {  	s15 =	smov.u32 s1;
	p2 =	slt.s32 s13, s3  }
0x1c: {  	s15 =	smov.u32 @p2 s13;
	p2 =	sne.s32 s12, s10  }
.Ltmp1:
0x1d: {  	p1 =	slt.u32 s12, $0x2;
	(pc) =	sbr.rel @!p2 .LBB2_8-.Ltmp1, $4  }
0x1e: {  	s14 =	simm.s32 @!p1 $0x3  }
0x1f: {  	s16 =	sadd.s32 $0x1, s12;
	_ =	swait.ge @!p1 [sflag:s14], $0x6400  }
0x20: {  	p0 =	por !p0, !p0;
	s13 =	smov.u32 s11;
	[sflag:s14] =	ssyncset.done @!p1 $0x0  }
0x21: {  	s12 =	smov.u32 s16;
	s11 =	smov.u32 s15;
	[sflag:s14] =	ssyncadd.s32 @!p1 $0xFFFF9C00  }
.LBB2_1:
0x22: {  	p1 =	sge.u32 s12, s8  }
0x23: {  	s14 =	sxor.u32 @!p1 $0xFFFFFFFF, s12  }
0x24: {  	s14 =	sand.u32 @!p1 $0x1, s14  }
0x25: {  	s14 =	smul.u32 @!p1 $0x320, s14  }
0x26: {  	s31 =	sadd.s32 $0xFFFFFFFF, s12;
	s15 =	sshrl.u32 @!p1 s11, $0x3  }
0x27: {  	s16 =	sand.u32 @!p1 $0x7, s11;
	s15 =	sadd.s32 @!p1 s5, s15;
	s14 =	sshrl.u32 @!p1 s14, $0x2  }
0x28: {  	[tilespmem:s14], [sflag:$0x2] =	stream.linear.gather @!p1 [hbm4b:s15+s16], $0xC8, $0x38;
	[tilespmem:$0xC990] =	vst v63  }
0x29: {  	p1 =	sge.u32 s31, s8  }
.Ltmp2:
0x2a: {  	_ = 	snop;
	(pc) =	sbr.rel @p1 .LBB2_7-.Ltmp2, $1  }
0x2b: {  	_ =	sdelay $0x3  }
0x2c: {  	s14 =	simm.s32 $0x1  }
0x2d: {  	s14 =	simm.s32 @!p0 $0x0  }
0x2e: {  	s15 =	smul.u32 $0x320, s14  }
0x2f: {  	_ =	swait.ge [sflag:s7], $0xC8  }
0x30: {  	[sflag:s7] =	ssyncset.done $0x0;
	s16 =	sshrl.u32 s15, $0x2  }
0x31: {  	[sflag:s7] =	ssyncadd.s32 $0xFFFFFF38;
	s15 =	sadd.s32 $0x0, s16  }
0x32: {  	v0 =	vld.msk [tilespmem:s15+$0x0 ss:$0x1], $0xffff;
	_ =	sdelay $0x4  }
0x33: {  	vm2 =	vgt.s32 v0, $0x0  }
0x34: {  	v0 =	vnsel vm2, $0x0, v0  }
0x35: {  	v0 =	vmin.u32 v0, $0x21C8  }
0x36: {  	v0 =	vshll.u32 v0, $0x4  }
0x37: {  	s14 =	smul.u32 $0x19000, s14  }
0x38: {  	s31 =	sand.u32 $0x1, s12  }
0x39: {  	s17 =	smul.u32 $0x320, s31;
	s14 =	sshrl.u32 s14, $0x2  }
0x3a: {  	s19 =	smul.u32 $0x19000, s31;
	s14 =	sor.u32 $0x190, s14  }
0x3b: {  	[tilespmem:s14], [sflag:$0x1] =	stream.indirect_vreg.gather [hbm:s4], $0x80, v0, vm0, $0x38;
	[tilespmem:$0xC990] =	vst v63  }
0x3c: {  	s18 =	sshrl.u32 s17, $0x2;
	s20 =	sadd.s32 $0x10, s16;
	s15 =	sadd.s32 $0x400, s14  }
0x3d: {  	[tilespmem:s15], [sflag:$0x1] =	stream.indirect_vreg.gather [hbm:s4], $0x80, v0, vm1, $0x38;
	[tilespmem:$0xC990] =	vst v63  }
0x3e: {  	s17 =	sshrl.u32 s19, $0x2;
	s19 =	smov.u32 s14;
	v0 =	vld.msk [tilespmem:s20+$0x0 ss:$0x1], $0xffff;
	s20 =	simm.s32 $0x80  }
.LBB2_3:
0x3f: {  	p1 =	sne.s32 s20, $0x2C0;
	_ =	sdelay $0x4  }
0x40: {  	vm2 =	vgt.s32 v0, $0x0  }
0x41: {  	v0 =	vnsel vm2, $0x0, v0  }
0x42: {  	v0 =	vmin.u32 v0, $0x21C8  }
0x43: {  	v0 =	vshll.u32 v0, $0x4;
	_ =	sdelay $0x3  }
.Ltmp3:
0x44: {  	s21 =	sshra.s32 s20, $0x2;
	s19 =	sadd.s32 $0x800, s19;
	(pc) =	sbr.rel @p1 .LBB2_3-.Ltmp3, $4  }
0x45: {  	[tilespmem:s19], [sflag:$0x1] =	stream.indirect_vreg.gather [hbm:s4], $0x80, v0, vm0, $0x38;
	[tilespmem:$0xC990] =	vst v63  }
0x46: {  	s21 =	sadd.s32 s21, s16;
	s22 =	sadd.s32 $0x400, s19  }
0x47: {  	[tilespmem:s22], [sflag:$0x1] =	stream.indirect_vreg.gather [hbm:s4], $0x80, v0, vm1, $0x38;
	[tilespmem:$0xC990] =	vst v63  }
0x48: {  	s20 =	sadd.s32 $0x40, s20;
	v0 =	vld.msk [tilespmem:s21+$0x0 ss:$0x1], $0xffff  }
0x49: {  	_ =	sdelay $0x3  }
0x4a: {  	vm2 =	vgt.s32 v0, $0x0  }
0x4b: {  	v0 =	vnsel vm2, $0x0, v0  }
0x4c: {  	v0 =	vmin.u32 v0, $0x21C8  }
0x4d: {  	v0 =	vshll.u32 v0, $0x4;
	_ =	sdelay $0x3  }
0x4e: {  	s16 =	sadd.s32 $0x800, s19  }
0x4f: {  	[tilespmem:s16], [sflag:$0x1] =	stream.indirect_vreg.gather [hbm:s4], $0x80, v0, vm0, $0x38;
	[tilespmem:$0xC990] =	vst v63  }
0x50: {  	s16 =	sadd.s32 $0x400, s16  }
0x51: {  	[tilespmem:s16], [sflag:$0x1] =	stream.indirect_vreg.gather [hbm:s4], $0x80, v0, vm1, $0x38;
	[tilespmem:$0xC990] =	vst v63  }
0x52: {  	v0 =	vld.msk [tilespmem:s18+$0xC0 ss:$0x1], $0xff;
	_ =	sdelay $0x4  }
0x53: {  	vm2 =	vgt.s32 v0, $0x0  }
0x54: {  	v0 =	vnsel vm2, $0x0, v0  }
0x55: {  	v0 =	vmin.u32 v0, $0x21C8  }
0x56: {  	v0 =	vshll.u32 v0, $0x4;
	_ =	sdelay $0x3  }
0x57: {  	s31 =	sadd.s32 $0x6190, s17  }
0x58: {  	[tilespmem:s31], [sflag:$0x1] =	stream.indirect_vreg.gather [hbm:s4], $0x80, v0, vm0, $0x38;
	[tilespmem:$0xC990] =	vst v63  }
0x59: {  	s13 =	sshll.u32 s13, $0x4;
	_ =	swait.ge [sflag:s6], $0x6400  }
0x5a: {  	s13 =	sadd.s32 s13, s9;
	[sflag:s6] =	ssyncset.done $0x0  }
0x5b: {  	s17 =	sadd.s32 $0x0, s13;
	s16 =	simm.s32 $0x80;
	[sflag:s6] =	ssyncadd.s32 $0xFFFF9C00  }
.LBB2_5:
0x5c: {  	[hbm:s17] =	stream.linear.scatter [tilespmem:s14], [sflag:$0x3], $0x400, $0x38;
	[tilespmem:$0xC990] =	vst v63  }
0x5d: {  	s17 =	smov.u32 s16;
	s14 =	smov.u32 s15;
	p1 =	sne.s32 s16, $0xC00  }
.Ltmp4:
0x5e: {  	s16 =	sadd.s32 $0x80, s16;
	(pc) =	sbr.rel @p1 .LBB2_5-.Ltmp4, $2  }
0x5f: {  	_ =	sdelay $0x2  }
0x60: {  	s15 =	sadd.s32 $0x400, s15;
	s17 =	sadd.s32 s17, s13  }
.Ltmp5:
0x61: {  	_ = 	snop;
	(pc) =	sbr.rel .LBB2_6-.Ltmp5, $1  }
0x62: {  	_ =	sdelay $0x3  }
.LBB2_8:
0x63: {  	_ =	sfence.sel $0x180000  }
0x64: {  	s1 =	simm.s32 $0x2;
	[bflag:$0x0] =	sbarrier.arrive $0xFFFF  }
0x65: {  	s30 =	simm.s32 $0x3;
	[sflag:s1] =	ssyncpa.u1 $0x1  }
0x66: {  	s31 =	simm.s32 $0x1;
	[sflag:s30] =	ssyncpa.u1 $0x1  }
0x67: {  	[sflag:s31] =	ssyncpa.u1 $0x1  }
0x68: {  	p0 =	sne.s32 s0, $0x0;
	_ =	strace $0x90000047  }
0x69: {  	s0 =	sadd.s32 @!p0 $0x100000, s2;
	[bflag:$0x2] =	sbarrier.arrive $0xFFFF  }
0x6a: {  	[sflag:s0] =	ssyncadd.tile.s32 @!p0 $0x1;
	_ =	shalt  }
.Lfunc_end2:
_tile_overlayer_lowered:
.L_overlay_start_2:
0x6b: {  	(tag) =	ssettag $0x2  }
0x6c: {  	s0 =	rddreg [dreg:$0x0];
	s2 =	stileid.u32  }
0x6d: {  	s1 =	rddreg [dreg:$0x1];
	p0 =	sne.s32 s2, $0x0  }
0x6e: {  	s3 =	rddreg [dreg:$0x2];
	[bflag:$0x3] =	sbarrier.arrive $0xFFFF;
	s2 =	simm.s32 @!p0 $0x1C01  }
0x6f: {  	[timem:s3], [sflag:s2] =	dma.local @!p0 [hbm:s0], s1  }
0x70: {  	s0 =	simm.s32 @!p0 $0x1  }
0x71: {  	_ =	swait.ge @!p0 [sflag:s0], s1  }
0x72: {  	s1 =	ssub.s32 @!p0 $0x0, s1;
	[sflag:s0] =	ssyncset.done @!p0 $0x0  }
0x73: {  	[sflag:s0] =	ssyncadd.s32 @!p0 s1  }
0x74: {  	[bflag:$0x3] =	sbarrier.arrive $0xFFFF  }
0x75: {  	_ =	shalt  }

</sc_bundles>
